<compile_context>
chip_gen: v7x
topology: tpu7x:2x2x1
jax: 0.10.2.dev20260603
libtpu: 0.0.44.dev20260713+nightly
codegen_flags: <defaults>
</compile_context>

<pallas_src>
import functools

import jax
import jax.numpy as jnp
import numpy as np
from jax import lax
from jax.experimental import pallas as pl
from jax.experimental.pallas import tpu as pltpu
from jax.experimental.pallas import tpu_sc as plsc

_BS = 2
_NQ = 5440
_NV = 5440
_D = 256
_NH = 8
_NL = 4
_NP = 4
_HD = 32
_SPATIAL = [(64, 64), (32, 32), (16, 16), (8, 8)]
_SIZES = [h * w for (h, w) in _SPATIAL]
_STARTS = np.concatenate([[0], np.cumsum(_SIZES)]).astype(np.int32)
_NK = _NL * _NP * 4
_QB = 680
_QC = 160

_lidx = np.tile(np.repeat(np.arange(_NL), _NP), _NH)
_Wc = np.array([_SPATIAL[l][1] for l in _lidx], np.float32)
_Hc = np.array([_SPATIAL[l][0] for l in _lidx], np.float32)
_S16c = np.array([_STARTS[l] for l in _lidx], np.float32)

_cols = np.arange(_NH * _NL * _NP * 2).reshape(_NH, _NL, _NP, 2)
_PERM = np.concatenate([_cols[..., 0].reshape(-1), _cols[..., 1].reshape(-1)])

_BD = np.kron(np.eye(_NH, dtype=np.float32), np.ones((16, 16), np.float32))

_CONSTS = np.zeros((8, 128), np.float32)
_CONSTS[0] = _Wc
_CONSTS[1] = _Hc
_CONSTS[2] = _S16c


def _prep_kernel(q_ref, rpx_ref, rpy_ref, woffx_ref, woffy_ref, boffx_ref,
                 boffy_ref, wattn_ref, battn_ref, bd_ref, consts_ref,
                 idx_ref, w_ref):
    q = q_ref[0]
    offx = jnp.dot(q, woffx_ref[...], preferred_element_type=jnp.float32) + boffx_ref[...]
    offy = jnp.dot(q, woffy_ref[...], preferred_element_type=jnp.float32) + boffy_ref[...]
    awr = jnp.dot(q, wattn_ref[...], preferred_element_type=jnp.float32) + battn_ref[...]
    e = jnp.exp(awr)
    s = jnp.dot(e, bd_ref[...], preferred_element_type=jnp.float32)
    aw = e / s

    wv = consts_ref[0:1, :]
    hv = consts_ref[1:2, :]
    s16 = consts_ref[2:3, :]
    gx = 2.0 * (rpx_ref[0] + offx * (1.0 / wv)) - 1.0
    gy = 2.0 * (rpy_ref[0] + offy * (1.0 / hv)) - 1.0
    x = ((gx + 1.0) * wv - 1.0) * 0.5
    y = ((gy + 1.0) * hv - 1.0) * 0.5

    x0 = jnp.floor(x)
    y0 = jnp.floor(y)
    lx = x - x0
    ly = y - y0
    hx = 1.0 - lx
    hy = 1.0 - ly

    corners = ((x0, y0, hx * hy),
               (x0 + 1.0, y0, lx * hy),
               (x0, y0 + 1.0, hx * ly),
               (x0 + 1.0, y0 + 1.0, lx * ly))
    idx_t, w_t = [], []
    for xi, yi, bw in corners:
        valid = ((xi >= 0.0) & (xi <= wv - 1.0)
                 & (yi >= 0.0) & (yi <= hv - 1.0)).astype(jnp.float32)
        xc = jnp.clip(xi, 0.0, wv - 1.0)
        yc = jnp.clip(yi, 0.0, hv - 1.0)
        idx16 = (yc * wv + xc) + s16
        idx_t.append(jnp.transpose(idx16, (1, 0)))
        w_t.append(jnp.transpose(bw * valid * aw, (1, 0)))
    idx_rows = jnp.concatenate(
        [t[h * 16:(h + 1) * 16] for h in range(_NH) for t in idx_t], axis=0)
    w_rows = jnp.concatenate(
        [t[h * 16:(h + 1) * 16] for h in range(_NH) for t in w_t], axis=0)
    idx_ref[0, 0] = idx_rows
    w_ref[0, 0] = w_rows


def _prep(query, rpx, rpy, woffx, woffy, boffx, boffy, wattn, battn):
    sc_arr = jax.ShapeDtypeStruct((_BS, _NQ // _QC, 512, _QC), jnp.float32)
    blk = lambda: pl.BlockSpec((1, _QC, 128), lambda b, i: (b, i, 0))
    return pl.pallas_call(
        _prep_kernel,
        grid=(_BS, _NQ // _QC),
        in_specs=[
            pl.BlockSpec((1, _QC, _D), lambda b, i: (b, i, 0)),
            blk(), blk(),
            pl.BlockSpec((_D, 128), lambda b, i: (0, 0)),
            pl.BlockSpec((_D, 128), lambda b, i: (0, 0)),
            pl.BlockSpec((128,), lambda b, i: (0,)),
            pl.BlockSpec((128,), lambda b, i: (0,)),
            pl.BlockSpec((_D, 128), lambda b, i: (0, 0)),
            pl.BlockSpec((128,), lambda b, i: (0,)),
            pl.BlockSpec((128, 128), lambda b, i: (0, 0)),
            pl.BlockSpec((8, 128), lambda b, i: (0, 0)),
        ],
        out_specs=[pl.BlockSpec((1, 1, 512, _QC), lambda b, i: (b, i, 0, 0))] * 2,
        out_shape=[sc_arr, sc_arr],
    )(query, rpx, rpy, woffx, woffy, boffx, boffy, wattn, battn,
      jnp.asarray(_BD), jnp.asarray(_CONSTS))


def _vproj_kernel(x_ref, w_ref, b_ref, o_ref):
    y = lax.dot_general(w_ref[...], x_ref[0], (((0,), (1,)), ((), ())),
                        preferred_element_type=jnp.float32)
    o_ref[0] = y + b_ref[...][:, None]


def _vproj(value, W, b):
    return pl.pallas_call(
        _vproj_kernel,
        grid=(_BS,),
        in_specs=[
            pl.BlockSpec((1, _NV, _D), lambda i: (i, 0, 0)),
            pl.BlockSpec((_D, _D), lambda i: (0, 0)),
            pl.BlockSpec((_D,), lambda i: (0,)),
        ],
        out_specs=pl.BlockSpec((1, _D, _NV), lambda i: (i, 0, 0)),
        out_shape=jax.ShapeDtypeStruct((_BS, _D, _NV), jnp.float32),
    )(value, W, b)


def _oproj_kernel(x_ref, w_ref, b_ref, o_ref):
    xt = x_ref[0, :, 0].reshape(_D, _QC)
    y = lax.dot_general(xt, w_ref[...], (((0,), (0,)), ((), ())),
                        preferred_element_type=jnp.float32)
    o_ref[0] = y + b_ref[...]


def _oproj(x5, W, b):
    return pl.pallas_call(
        _oproj_kernel,
        grid=(_BS, _NQ // _QC),
        in_specs=[
            pl.BlockSpec((1, 16, 1, 16, _QC), lambda bq, i: (bq, 0, i, 0, 0)),
            pl.BlockSpec((_D, _D), lambda bq, i: (0, 0)),
            pl.BlockSpec((_D,), lambda bq, i: (0,)),
        ],
        out_specs=pl.BlockSpec((1, _QC, _D), lambda bq, i: (bq, i, 0)),
        out_shape=jax.ShapeDtypeStruct((_BS, _NQ, _D), jnp.float32),
    )(x5, W, b)


_NCH = _NQ // _QC
_CW = _NK * _QC
_OW = _QC * 16
_VTW = _NV * 16
_KU = 1


def _sc_gather_body(vt_hbm, idx_hbm, w_hbm, out_hbm, vt_v, idx_v, w_v, out_v):
    cid = lax.axis_index("c")
    sid = lax.axis_index("s")
    wid = sid * 2 + cid
    b = wid // 16
    h = (wid // 2) % 8
    pltpu.sync_copy(vt_hbm.at[pl.ds(wid * _VTW, _VTW)], vt_v)

    def chunk_body(ci, _):
        hoff = pl.multiple_of(h * 64, 64)
        pltpu.sync_copy(idx_hbm.at[b, ci, pl.ds(hoff, _NK), :], idx_v)
        pltpu.sync_copy(w_hbm.at[b, ci, pl.ds(hoff, _NK), :], w_v)

        def group_body(g, _):
            ql = g * 16
            def k_body(ko, accs):
                for ku in range(_KU):
                    k = ko * _KU + ku
                    idxv = idx_v[k, pl.ds(ql, 16)].astype(jnp.int32)
                    wvec = w_v[k, pl.ds(ql, 16)]
                    accs = tuple(
                        accs[c] + wvec * plsc.load_gather(vt_v, [idxv + c * _NV])
                        for c in range(16))
                return accs
            accs = lax.fori_loop(
                0, _NK // _KU, k_body,
                tuple(jnp.zeros((16,), jnp.float32) for _ in range(16)))
            for c in range(16):
                out_v[pl.ds(c * _QC + ql, 16)] = accs[c]
            return 0

        lax.fori_loop(0, _QC // 16, group_body, 0)
        pltpu.sync_copy(out_v, out_hbm.at[pl.ds((wid * _NCH + ci) * _OW, _OW)])
        return 0

    lax.fori_loop(0, _NCH, chunk_body, 0)


@functools.cache
def _sc_gather_build():
    return pl.kernel(
        _sc_gather_body,
        out_type=jax.ShapeDtypeStruct((_BS * _NH * 2 * _NQ * 16,), jnp.float32),
        mesh=plsc.VectorSubcoreMesh(core_axis_name="c", subcore_axis_name="s",
                                    num_cores=2, num_subcores=16),
        compiler_params=pltpu.CompilerParams(needs_layout_passes=False),
        scratch_types=[
            pltpu.VMEM((_VTW,), jnp.float32),
            pltpu.VMEM((_NK, _QC), jnp.float32),
            pltpu.VMEM((_NK, _QC), jnp.float32),
            pltpu.VMEM((_OW,), jnp.float32),
        ],
    )


def _sc_gather(vt, idx_sc, w_sc):
    return _sc_gather_build()(vt, idx_sc, w_sc)


def kernel(query, value, reference_points, W_value, b_value, W_off, b_off,
           W_attn, b_attn, W_out, b_out):
    woffp = W_off[:, _PERM]
    boffp = b_off[_PERM]
    woffx, woffy = woffp[:, :128], woffp[:, 128:]
    boffx, boffy = boffp[:128], boffp[128:]
    rp = jnp.broadcast_to(reference_points[:, :, None, :, None, :],
                          (_BS, _NQ, _NH, _NL, _NP, 2))
    rpx = rp[..., 0].reshape(_BS, _NQ, 128)
    rpy = rp[..., 1].reshape(_BS, _NQ, 128)

    idx_sc, w_sc = _prep(
        query, rpx, rpy, woffx, woffy, boffx, boffy, W_attn, b_attn)

    vt = _vproj(value, W_value, b_value).reshape(-1)

    out_sc = _sc_gather(vt, idx_sc, w_sc)

    x5 = out_sc.reshape(_BS, 16, _NCH, 16, _QC)
    return _oproj(x5, W_out, b_out)

# --- scband reference (transcript-rebuilt; emitter-appended) ---
"""Pipeline reference for scband-multi-scale-deformable-attention-35923106463881 (READ-ONLY COPY).

The authoritative reference and input builder live on the scoring server;
editing this copy changes nothing except your own understanding.
"""

import jax, jax.numpy as jnp
import numpy as np

EMBED_DIM = 256
NUM_HEADS = 8
NUM_LEVELS = 4
NUM_POINTS = 4
HEAD_DIM = EMBED_DIM // NUM_HEADS
SPATIAL_SHAPES = [(64, 64), (32, 32), (16, 16), (8, 8)]
BS = 2
NQ = 5440
NV = 5440


def setup_inputs(seed: int = 0):
    key = jax.random.key(seed)
    ks = jax.random.split(key, 11)
    d = EMBED_DIM
    query = jax.random.normal(ks[0], (BS, NQ, d), jnp.float32)
    value = jax.random.normal(ks[1], (BS, NV, d), jnp.float32)
    reference_points = jax.random.uniform(ks[2], (BS, NQ, NUM_LEVELS, 2), dtype=jnp.float32)
    W_value = jax.random.normal(ks[3], (d, d), jnp.float32) * 0.02
    b_value = jnp.zeros((d,), jnp.float32)
    W_off = jax.random.normal(ks[4], (d, NUM_HEADS * NUM_LEVELS * NUM_POINTS * 2), jnp.float32) * 0.01
    b_off = jax.random.normal(ks[5], (NUM_HEADS * NUM_LEVELS * NUM_POINTS * 2,), jnp.float32) * 0.5
    W_attn = jax.random.normal(ks[6], (d, NUM_HEADS * NUM_LEVELS * NUM_POINTS), jnp.float32) * 0.02
    b_attn = jnp.zeros((NUM_HEADS * NUM_LEVELS * NUM_POINTS,), jnp.float32)
    W_out = jax.random.normal(ks[7], (d, d), jnp.float32) * 0.02
    b_out = jnp.zeros((d,), jnp.float32)
    return {"query": query, "value": value, "reference_points": reference_points,
            "W_value": W_value, "b_value": b_value, "W_off": W_off, "b_off": b_off,
            "W_attn": W_attn, "b_attn": b_attn, "W_out": W_out, "b_out": b_out}


def _bilinear_sample(v_bh, H, W, x, y):
    # v_bh: [bs, heads, H*W, head_dim]; x, y: [bs, heads, S] pixel coords (align_corners=False, zero padding)
    x0 = jnp.floor(x)
    y0 = jnp.floor(y)
    lx = x - x0
    ly = y - y0
    hx = 1.0 - lx
    hy = 1.0 - ly

    def corner(xi, yi, w):
        valid = (xi >= 0) & (xi <= W - 1) & (yi >= 0) & (yi <= H - 1)
        xc = jnp.clip(xi, 0, W - 1).astype(jnp.int32)
        yc = jnp.clip(yi, 0, H - 1).astype(jnp.int32)
        idx = yc * W + xc
        g = jnp.take_along_axis(v_bh, idx[..., None], axis=2)
        return g * (w * valid.astype(w.dtype))[..., None]

    return (corner(x0, y0, hx * hy) + corner(x0 + 1.0, y0, lx * hy)
            + corner(x0, y0 + 1.0, hx * ly) + corner(x0 + 1.0, y0 + 1.0, lx * ly))


def reference(query, value, reference_points, W_value, b_value, W_off, b_off, W_attn, b_attn, W_out, b_out):
    bs, nq, d = query.shape
    nv = value.shape[1]
    v = value @ W_value + b_value
    v = v.reshape(bs, nv, NUM_HEADS, HEAD_DIM)
    off = (query @ W_off + b_off).reshape(bs, nq, NUM_HEADS, NUM_LEVELS, NUM_POINTS, 2)
    aw = (query @ W_attn + b_attn).reshape(bs, nq, NUM_HEADS, NUM_LEVELS * NUM_POINTS)
    aw = jax.nn.softmax(aw, axis=-1).reshape(bs, nq, NUM_HEADS, NUM_LEVELS, NUM_POINTS)
    normalizer = jnp.array([[w_, h_] for (h_, w_) in SPATIAL_SHAPES], jnp.float32)  # (W, H) per level
    loc = reference_points[:, :, None, :, None, :] + off / normalizer[None, None, None, :, None, :]
    grids = 2.0 * loc - 1.0
    sizes = [h_ * w_ for (h_, w_) in SPATIAL_SHAPES]
    starts = np.concatenate([[0], np.cumsum(sizes)])
    out = jnp.zeros((bs, NUM_HEADS, nq, HEAD_DIM), jnp.float32)
    for lvl, (H, W) in enumerate(SPATIAL_SHAPES):
        v_l = v[:, int(starts[lvl]):int(starts[lvl + 1])]          # [bs, H*W, heads, hd]
        v_bh = jnp.transpose(v_l, (0, 2, 1, 3))                    # [bs, heads, H*W, hd]
        g = grids[:, :, :, lvl]                                    # [bs, nq, heads, P, 2]
        x = ((g[..., 0] + 1.0) * W - 1.0) / 2.0
        y = ((g[..., 1] + 1.0) * H - 1.0) / 2.0
        x = jnp.transpose(x, (0, 2, 1, 3)).reshape(bs, NUM_HEADS, nq * NUM_POINTS)
        y = jnp.transpose(y, (0, 2, 1, 3)).reshape(bs, NUM_HEADS, nq * NUM_POINTS)
        samp = _bilinear_sample(v_bh, H, W, x, y).reshape(bs, NUM_HEADS, nq, NUM_POINTS, HEAD_DIM)
        w_l = jnp.transpose(aw[:, :, :, lvl], (0, 2, 1, 3))        # [bs, heads, nq, P]
        out = out + (samp * w_l[..., None]).sum(axis=3)
    out = jnp.transpose(out, (0, 2, 1, 3)).reshape(bs, nq, NUM_HEADS * HEAD_DIM)
    return out @ W_out + b_out

if __name__ == "__main__":
    import jax
    _d = setup_inputs()
    print(jax.jit(kernel)(*tuple(_d.values())))

</pallas_src>

<mosaic_0001>
#map = affine_map<(d0, d1) -> (0)>
#map1 = affine_map<(d0, d1) -> (0, 0, 0, 0)>
module attributes {stable_mosaic.version = 14 : i64} {
  func.func @_sc_gather_body(%arg0: i32, %arg1: i32, %arg2: memref<2785280xf32, #tpu.memory_space<hbm>>, %arg3: memref<2x34x512x160xf32, #tpu.memory_space<hbm>>, %arg4: memref<2x34x512x160xf32, #tpu.memory_space<hbm>>, %arg5: memref<2785280xf32, #tpu.memory_space<hbm>>, %arg6: memref<87040xf32, #tpu.memory_space<vmem>>, %arg7: memref<64x160xf32, #tpu.memory_space<vmem>>, %arg8: memref<64x160xf32, #tpu.memory_space<vmem>>, %arg9: memref<2560xf32, #tpu.memory_space<vmem>>) attributes {dimension_semantics = [#tpu.dimension_semantics<core_parallel>, #tpu.dimension_semantics<subcore_parallel>], iteration_bounds = array<i64: 2, 16>, scalar_prefetch = 0 : i64, scratch_operands = 4 : i64, tpu.core_type = #tpu.core_type<sc_vector_subcore>, window_params = [{transform_indices = #map}, {transform_indices = #map1}, {transform_indices = #map1}, {transform_indices = #map}]} {
    %mul3A = arith.constant 2 : i32
    %mul3A_0 = arith.muli %arg1, %mul3A : i32
    %add3A = arith.addi %mul3A_0, %arg0 : i32
    %jit3A = arith.constant 16 : i32
    %div3A = arith.divsi %add3A, %jit3A : i32
    %sign3A = arith.constant 0 : i32
    %sign3A_1 = arith.cmpi sgt, %add3A, %sign3A : i32
    %sign3A_2 = arith.extui %sign3A_1 : i1 to i32
    %sign3A_3 = arith.constant 0 : i32
    %sign3A_4 = arith.cmpi slt, %add3A, %sign3A_3 : i32
    %sign3A_5 = arith.extui %sign3A_4 : i1 to i32
    %sign3A_6 = arith.subi %sign3A_2, %sign3A_5 : i32
    %sign3A_7 = arith.constant 0 : i32
    %sign3A_8 = arith.cmpi sgt, %jit3A, %sign3A_7 : i32
    %sign3A_9 = arith.extui %sign3A_8 : i1 to i32
    %sign3A_10 = arith.constant 0 : i32
    %sign3A_11 = arith.cmpi slt, %jit3A, %sign3A_10 : i32
    %sign3A_12 = arith.extui %sign3A_11 : i1 to i32
    %sign3A_13 = arith.subi %sign3A_9, %sign3A_12 : i32
    %ne3A = arith.cmpi ne, %sign3A_6, %sign3A_13 : i32
    %rem3A = arith.remsi %add3A, %jit3A : i32
    %ne3A_14 = arith.constant 0 : i32
    %ne3A_15 = arith.cmpi ne, %rem3A, %ne3A_14 : i32
    %and3A = arith.andi %ne3A, %ne3A_15 : i1
    %sub3A = arith.constant 1 : i32
    %sub3A_16 = arith.subi %div3A, %sub3A : i32
    %select_n3A = arith.select %and3A, %sub3A_16, %div3A : i32
    %jit3A_17 = arith.constant 2 : i32
    %div3A_18 = arith.divsi %add3A, %jit3A_17 : i32
    %sign3A_19 = arith.constant 0 : i32
    %sign3A_20 = arith.cmpi sgt, %add3A, %sign3A_19 : i32
    %sign3A_21 = arith.extui %sign3A_20 : i1 to i32
    %sign3A_22 = arith.constant 0 : i32
    %sign3A_23 = arith.cmpi slt, %add3A, %sign3A_22 : i32
    %sign3A_24 = arith.extui %sign3A_23 : i1 to i32
    %sign3A_25 = arith.subi %sign3A_21, %sign3A_24 : i32
    %sign3A_26 = arith.constant 0 : i32
    %sign3A_27 = arith.cmpi sgt, %jit3A_17, %sign3A_26 : i32
    %sign3A_28 = arith.extui %sign3A_27 : i1 to i32
    %sign3A_29 = arith.constant 0 : i32
    %sign3A_30 = arith.cmpi slt, %jit3A_17, %sign3A_29 : i32
    %sign3A_31 = arith.extui %sign3A_30 : i1 to i32
    %sign3A_32 = arith.subi %sign3A_28, %sign3A_31 : i32
    %ne3A_33 = arith.cmpi ne, %sign3A_25, %sign3A_32 : i32
    %rem3A_34 = arith.remsi %add3A, %jit3A_17 : i32
    %ne3A_35 = arith.constant 0 : i32
    %ne3A_36 = arith.cmpi ne, %rem3A_34, %ne3A_35 : i32
    %and3A_37 = arith.andi %ne3A_33, %ne3A_36 : i1
    %sub3A_38 = arith.constant 1 : i32
    %sub3A_39 = arith.subi %div3A_18, %sub3A_38 : i32
    %select_n3A_40 = arith.select %and3A_37, %sub3A_39, %div3A_18 : i32
    %jit3A_41 = arith.constant 8 : i32
    %eq3A = arith.constant 0 : i32
    %eq3A_42 = arith.cmpi eq, %jit3A_41, %eq3A : i32
    %jit3A_43 = arith.constant 1 : i32
    %select_n3A_44 = arith.select %eq3A_42, %jit3A_43, %jit3A_41 : i32
    %rem3A_45 = arith.remsi %select_n3A_40, %select_n3A_44 : i32
    %ne3A_46 = arith.constant 0 : i32
    %ne3A_47 = arith.cmpi ne, %rem3A_45, %ne3A_46 : i32
    %lt3A = arith.constant 0 : i32
    %lt3A_48 = arith.cmpi slt, %rem3A_45, %lt3A : i32
    %lt3A_49 = arith.constant 0 : i32
    %lt3A_50 = arith.cmpi slt, %select_n3A_44, %lt3A_49 : i32
    %ne3A_51 = arith.xori %lt3A_48, %lt3A_50 : i1
    %and3A_52 = arith.andi %ne3A_51, %ne3A_47 : i1
    %add3A_53 = arith.addi %rem3A_45, %select_n3A_44 : i32
    %select_n3A_54 = arith.select %and3A_52, %add3A_53, %rem3A_45 : i32
    %mul3A_55 = arith.constant 87040 : i32
    %mul3A_56 = arith.muli %add3A, %mul3A_55 : i32
    "tpu.region"() ({
      %run_scoped3A = tpu.sem_alloc : memref<!tpu.dma_semaphore, #tpu.memory_space<semaphore_mem>>
      %dma_start3A = tpu.memref_slice %arg2[%mul3A_56] : memref<2785280xf32, #tpu.memory_space<hbm>> -> memref<87040xf32, #tpu.memory_space<hbm>>
      %dma_start3A_63 = tpu.memref_slice %arg2[%mul3A_56] : memref<2785280xf32, #tpu.memory_space<hbm>> -> memref<87040xf32, #tpu.memory_space<hbm>>
      tpu.enqueue_dma source(%dma_start3A_63 : memref<87040xf32, #tpu.memory_space<hbm>>) target(%arg6 : memref<87040xf32, #tpu.memory_space<vmem>>) target_semaphore(%run_scoped3A : memref<!tpu.dma_semaphore, #tpu.memory_space<semaphore_mem>>)
      %dma_wait3A = tpu.memref_slice %arg2[%mul3A_56] : memref<2785280xf32, #tpu.memory_space<hbm>> -> memref<87040xf32, #tpu.memory_space<hbm>>
      %dma_wait3A_64 = tpu.memref_slice %arg2[%mul3A_56] : memref<2785280xf32, #tpu.memory_space<hbm>> -> memref<87040xf32, #tpu.memory_space<hbm>>
      tpu.wait_dma2 semaphore(%run_scoped3A : memref<!tpu.dma_semaphore, #tpu.memory_space<semaphore_mem>>) src(%dma_wait3A_64 : memref<87040xf32, #tpu.memory_space<hbm>>) dst(%arg6 : memref<87040xf32, #tpu.memory_space<vmem>>)
      tpu.yield
    }) : () -> ()
    %scan3A = arith.constant 0 : i32
    %scan3A_57 = arith.constant 0 : i32
    %scan3A_58 = arith.constant 34 : i32
    %scan3A_59 = arith.addi %scan3A_57, %scan3A_58 : i32
    %scan3A_60 = arith.constant 1 : i32
    %scan3A_61 = scf.for %scan3A_63 = %scan3A_57 to %scan3A_59 step %scan3A_60 iter_args(%scan3A_64 = %scan3A) -> (i32)  : i32 {
      %mul3A_65 = arith.constant 64 : i32
      %mul3A_66 = arith.muli %select_n3A_54, %mul3A_65 : i32
      %multiple_of3A = tpu.assume_multiple %mul3A_66, 64 : i32
      "tpu.region"() ({
        %run_scoped3A = tpu.sem_alloc : memref<!tpu.dma_semaphore, #tpu.memory_space<semaphore_mem>>
        %dma_start3A = arith.constant 0 : i32
        %dma_start3A_80 = tpu.memref_slice %arg3[%select_n3A, %scan3A_63, %multiple_of3A, %dma_start3A] : memref<2x34x512x160xf32, #tpu.memory_space<hbm>> -> memref<1x1x64x160xf32, #tpu.memory_space<hbm>>
        %dma_start3A_81 = tpu.memref_squeeze %dma_start3A_80 : memref<1x1x64x160xf32, #tpu.memory_space<hbm>> -> memref<64x160xf32, #tpu.memory_space<hbm>>
        %dma_start3A_82 = arith.constant 0 : i32
        %dma_start3A_83 = tpu.memref_slice %arg3[%select_n3A, %scan3A_63, %multiple_of3A, %dma_start3A_82] : memref<2x34x512x160xf32, #tpu.memory_space<hbm>> -> memref<1x1x64x160xf32, #tpu.memory_space<hbm>>
        %dma_start3A_84 = tpu.memref_squeeze %dma_start3A_83 : memref<1x1x64x160xf32, #tpu.memory_space<hbm>> -> memref<64x160xf32, #tpu.memory_space<hbm>>
        tpu.enqueue_dma source(%dma_start3A_84 : memref<64x160xf32, #tpu.memory_space<hbm>>) target(%arg7 : memref<64x160xf32, #tpu.memory_space<vmem>>) target_semaphore(%run_scoped3A : memref<!tpu.dma_semaphore, #tpu.memory_space<semaphore_mem>>)
        %dma_wait3A = arith.constant 0 : i32
        %dma_wait3A_85 = tpu.memref_slice %arg3[%select_n3A, %scan3A_63, %multiple_of3A, %dma_wait3A] : memref<2x34x512x160xf32, #tpu.memory_space<hbm>> -> memref<1x1x64x160xf32, #tpu.memory_space<hbm>>
        %dma_wait3A_86 = tpu.memref_squeeze %dma_wait3A_85 : memref<1x1x64x160xf32, #tpu.memory_space<hbm>> -> memref<64x160xf32, #tpu.memory_space<hbm>>
        %dma_wait3A_87 = arith.constant 0 : i32
        %dma_wait3A_88 = tpu.memref_slice %arg3[%select_n3A, %scan3A_63, %multiple_of3A, %dma_wait3A_87] : memref<2x34x512x160xf32, #tpu.memory_space<hbm>> -> memref<1x1x64x160xf32, #tpu.memory_space<hbm>>
        %dma_wait3A_89 = tpu.memref_squeeze %dma_wait3A_88 : memref<1x1x64x160xf32, #tpu.memory_space<hbm>> -> memref<64x160xf32, #tpu.memory_space<hbm>>
        tpu.wait_dma2 semaphore(%run_scoped3A : memref<!tpu.dma_semaphore, #tpu.memory_space<semaphore_mem>>) src(%dma_wait3A_89 : memref<64x160xf32, #tpu.memory_space<hbm>>) dst(%arg7 : memref<64x160xf32, #tpu.memory_space<vmem>>)
        tpu.yield
      }) : () -> ()
      "tpu.region"() ({
        %run_scoped3A = tpu.sem_alloc : memref<!tpu.dma_semaphore, #tpu.memory_space<semaphore_mem>>
        %dma_start3A = arith.constant 0 : i32
        %dma_start3A_80 = tpu.memref_slice %arg4[%select_n3A, %scan3A_63, %multiple_of3A, %dma_start3A] : memref<2x34x512x160xf32, #tpu.memory_space<hbm>> -> memref<1x1x64x160xf32, #tpu.memory_space<hbm>>
        %dma_start3A_81 = tpu.memref_squeeze %dma_start3A_80 : memref<1x1x64x160xf32, #tpu.memory_space<hbm>> -> memref<64x160xf32, #tpu.memory_space<hbm>>
        %dma_start3A_82 = arith.constant 0 : i32
        %dma_start3A_83 = tpu.memref_slice %arg4[%select_n3A, %scan3A_63, %multiple_of3A, %dma_start3A_82] : memref<2x34x512x160xf32, #tpu.memory_space<hbm>> -> memref<1x1x64x160xf32, #tpu.memory_space<hbm>>
        %dma_start3A_84 = tpu.memref_squeeze %dma_start3A_83 : memref<1x1x64x160xf32, #tpu.memory_space<hbm>> -> memref<64x160xf32, #tpu.memory_space<hbm>>
        tpu.enqueue_dma source(%dma_start3A_84 : memref<64x160xf32, #tpu.memory_space<hbm>>) target(%arg8 : memref<64x160xf32, #tpu.memory_space<vmem>>) target_semaphore(%run_scoped3A : memref<!tpu.dma_semaphore, #tpu.memory_space<semaphore_mem>>)
        %dma_wait3A = arith.constant 0 : i32
        %dma_wait3A_85 = tpu.memref_slice %arg4[%select_n3A, %scan3A_63, %multiple_of3A, %dma_wait3A] : memref<2x34x512x160xf32, #tpu.memory_space<hbm>> -> memref<1x1x64x160xf32, #tpu.memory_space<hbm>>
        %dma_wait3A_86 = tpu.memref_squeeze %dma_wait3A_85 : memref<1x1x64x160xf32, #tpu.memory_space<hbm>> -> memref<64x160xf32, #tpu.memory_space<hbm>>
        %dma_wait3A_87 = arith.constant 0 : i32
        %dma_wait3A_88 = tpu.memref_slice %arg4[%select_n3A, %scan3A_63, %multiple_of3A, %dma_wait3A_87] : memref<2x34x512x160xf32, #tpu.memory_space<hbm>> -> memref<1x1x64x160xf32, #tpu.memory_space<hbm>>
        %dma_wait3A_89 = tpu.memref_squeeze %dma_wait3A_88 : memref<1x1x64x160xf32, #tpu.memory_space<hbm>> -> memref<64x160xf32, #tpu.memory_space<hbm>>
        tpu.wait_dma2 semaphore(%run_scoped3A : memref<!tpu.dma_semaphore, #tpu.memory_space<semaphore_mem>>) src(%dma_wait3A_89 : memref<64x160xf32, #tpu.memory_space<hbm>>) dst(%arg8 : memref<64x160xf32, #tpu.memory_space<vmem>>)
        tpu.yield
      }) : () -> ()
      %scan3A_67 = arith.constant 0 : i32
      %scan3A_68 = arith.constant 0 : i32
      %scan3A_69 = arith.constant 10 : i32
      %scan3A_70 = arith.addi %scan3A_68, %scan3A_69 : i32
      %scan3A_71 = arith.constant 1 : i32
      %scan3A_72 = scf.for %scan3A_80 = %scan3A_68 to %scan3A_70 step %scan3A_71 iter_args(%scan3A_81 = %scan3A_67) -> (i32)  : i32 {
        %mul3A_82 = arith.constant 16 : i32
        %mul3A_83 = arith.muli %scan3A_80, %mul3A_82 : i32
        %broadcast_in_dim3A = arith.constant 0.000000e+00 : f32
        %broadcast_in_dim3A_84 = vector.broadcast %broadcast_in_dim3A : f32 to vector<16xf32>
        %broadcast_in_dim3A_85 = arith.constant 0.000000e+00 : f32
        %broadcast_in_dim3A_86 = vector.broadcast %broadcast_in_dim3A_85 : f32 to vector<16xf32>
        %broadcast_in_dim3A_87 = arith.constant 0.000000e+00 : f32
        %broadcast_in_dim3A_88 = vector.broadcast %broadcast_in_dim3A_87 : f32 to vector<16xf32>
        %broadcast_in_dim3A_89 = arith.constant 0.000000e+00 : f32
        %broadcast_in_dim3A_90 = vector.broadcast %broadcast_in_dim3A_89 : f32 to vector<16xf32>
        %broadcast_in_dim3A_91 = arith.constant 0.000000e+00 : f32
        %broadcast_in_dim3A_92 = vector.broadcast %broadcast_in_dim3A_91 : f32 to vector<16xf32>
        %broadcast_in_dim3A_93 = arith.constant 0.000000e+00 : f32
        %broadcast_in_dim3A_94 = vector.broadcast %broadcast_in_dim3A_93 : f32 to vector<16xf32>
        %broadcast_in_dim3A_95 = arith.constant 0.000000e+00 : f32
        %broadcast_in_dim3A_96 = vector.broadcast %broadcast_in_dim3A_95 : f32 to vector<16xf32>
        %broadcast_in_dim3A_97 = arith.constant 0.000000e+00 : f32
        %broadcast_in_dim3A_98 = vector.broadcast %broadcast_in_dim3A_97 : f32 to vector<16xf32>
        %broadcast_in_dim3A_99 = arith.constant 0.000000e+00 : f32
        %broadcast_in_dim3A_100 = vector.broadcast %broadcast_in_dim3A_99 : f32 to vector<16xf32>
        %broadcast_in_dim3A_101 = arith.constant 0.000000e+00 : f32
        %broadcast_in_dim3A_102 = vector.broadcast %broadcast_in_dim3A_101 : f32 to vector<16xf32>
        %broadcast_in_dim3A_103 = arith.constant 0.000000e+00 : f32
        %broadcast_in_dim3A_104 = vector.broadcast %broadcast_in_dim3A_103 : f32 to vector<16xf32>
        %broadcast_in_dim3A_105 = arith.constant 0.000000e+00 : f32
        %broadcast_in_dim3A_106 = vector.broadcast %broadcast_in_dim3A_105 : f32 to vector<16xf32>
        %broadcast_in_dim3A_107 = arith.constant 0.000000e+00 : f32
        %broadcast_in_dim3A_108 = vector.broadcast %broadcast_in_dim3A_107 : f32 to vector<16xf32>
        %broadcast_in_dim3A_109 = arith.constant 0.000000e+00 : f32
        %broadcast_in_dim3A_110 = vector.broadcast %broadcast_in_dim3A_109 : f32 to vector<16xf32>
        %broadcast_in_dim3A_111 = arith.constant 0.000000e+00 : f32
        %broadcast_in_dim3A_112 = vector.broadcast %broadcast_in_dim3A_111 : f32 to vector<16xf32>
        %broadcast_in_dim3A_113 = arith.constant 0.000000e+00 : f32
        %broadcast_in_dim3A_114 = vector.broadcast %broadcast_in_dim3A_113 : f32 to vector<16xf32>
        %scan3A_115 = arith.constant 0 : i32
        %scan3A_116 = arith.constant 64 : i32
        %scan3A_117 = arith.addi %scan3A_115, %scan3A_116 : i32
        %scan3A_118 = arith.constant 1 : i32
        %scan3A_119:16 = scf.for %scan3A_185 = %scan3A_115 to %scan3A_117 step %scan3A_118 iter_args(%scan3A_186 = %broadcast_in_dim3A_84, %scan3A_187 = %broadcast_in_dim3A_86, %scan3A_188 = %broadcast_in_dim3A_88, %scan3A_189 = %broadcast_in_dim3A_90, %scan3A_190 = %broadcast_in_dim3A_92, %scan3A_191 = %broadcast_in_dim3A_94, %scan3A_192 = %broadcast_in_dim3A_96, %scan3A_193 = %broadcast_in_dim3A_98, %scan3A_194 = %broadcast_in_dim3A_100, %scan3A_195 = %broadcast_in_dim3A_102, %scan3A_196 = %broadcast_in_dim3A_104, %scan3A_197 = %broadcast_in_dim3A_106, %scan3A_198 = %broadcast_in_dim3A_108, %scan3A_199 = %broadcast_in_dim3A_110, %scan3A_200 = %broadcast_in_dim3A_112, %scan3A_201 = %broadcast_in_dim3A_114) -> (vector<16xf32>, vector<16xf32>, vector<16xf32>, vector<16xf32>, vector<16xf32>, vector<16xf32>, vector<16xf32>, vector<16xf32>, vector<16xf32>, vector<16xf32>, vector<16xf32>, vector<16xf32>, vector<16xf32>, vector<16xf32>, vector<16xf32>, vector<16xf32>)  : i32 {
          %mul3A_202 = arith.constant 1 : i32
          %mul3A_203 = arith.muli %scan3A_185, %mul3A_202 : i32
          %add3A_204 = arith.constant 0 : i32
          %add3A_205 = arith.addi %mul3A_203, %add3A_204 : i32
          %get3A = arith.index_cast %add3A_205 : i32 to index
          %get3A_206 = arith.index_cast %mul3A_83 : i32 to index
          %get3A_207 = tpu.vector_load %arg7[%get3A, %get3A_206] {strides = array<i32>} : memref<64x160xf32, #tpu.memory_space<vmem>>, vector<16xf32>,
          %convert_element_type3A = arith.fptosi %get3A_207 : vector<16xf32> to vector<16xi32>
          %get3A_208 = arith.index_cast %add3A_205 : i32 to index
          %get3A_209 = arith.index_cast %mul3A_83 : i32 to index
          %get3A_210 = tpu.vector_load %arg8[%get3A_208, %get3A_209] {strides = array<i32>} : memref<64x160xf32, #tpu.memory_space<vmem>>, vector<16xf32>,
          %add3A_211 = arith.constant 0 : i32
          %add3A_212 = vector.broadcast %add3A_211 : i32 to vector<16xi32>
          %add3A_213 = arith.addi %convert_element_type3A, %add3A_212 : vector<16xi32>
          %gather3A = tpu.vector_load_idx %arg6[%add3A_213] : memref<87040xf32, #tpu.memory_space<vmem>>[vector<16xi32>], vector<16xf32>,
          %mul3A_214 = arith.mulf %get3A_210, %gather3A : vector<16xf32>
          %add3A_215 = arith.addf %scan3A_186, %mul3A_214 : vector<16xf32>
          %add3A_216 = arith.constant 5440 : i32
          %add3A_217 = vector.broadcast %add3A_216 : i32 to vector<16xi32>
          %add3A_218 = arith.addi %convert_element_type3A, %add3A_217 : vector<16xi32>
          %gather3A_219 = tpu.vector_load_idx %arg6[%add3A_218] : memref<87040xf32, #tpu.memory_space<vmem>>[vector<16xi32>], vector<16xf32>,
          %mul3A_220 = arith.mulf %get3A_210, %gather3A_219 : vector<16xf32>
          %add3A_221 = arith.addf %scan3A_187, %mul3A_220 : vector<16xf32>
          %add3A_222 = arith.constant 10880 : i32
          %add3A_223 = vector.broadcast %add3A_222 : i32 to vector<16xi32>
          %add3A_224 = arith.addi %convert_element_type3A, %add3A_223 : vector<16xi32>
          %gather3A_225 = tpu.vector_load_idx %arg6[%add3A_224] : memref<87040xf32, #tpu.memory_space<vmem>>[vector<16xi32>], vector<16xf32>,
          %mul3A_226 = arith.mulf %get3A_210, %gather3A_225 : vector<16xf32>
          %add3A_227 = arith.addf %scan3A_188, %mul3A_226 : vector<16xf32>
          %add3A_228 = arith.constant 16320 : i32
          %add3A_229 = vector.broadcast %add3A_228 : i32 to vector<16xi32>
          %add3A_230 = arith.addi %convert_element_type3A, %add3A_229 : vector<16xi32>
          %gather3A_231 = tpu.vector_load_idx %arg6[%add3A_230] : memref<87040xf32, #tpu.memory_space<vmem>>[vector<16xi32>], vector<16xf32>,
          %mul3A_232 = arith.mulf %get3A_210, %gather3A_231 : vector<16xf32>
          %add3A_233 = arith.addf %scan3A_189, %mul3A_232 : vector<16xf32>
          %add3A_234 = arith.constant 21760 : i32
          %add3A_235 = vector.broadcast %add3A_234 : i32 to vector<16xi32>
          %add3A_236 = arith.addi %convert_element_type3A, %add3A_235 : vector<16xi32>
          %gather3A_237 = tpu.vector_load_idx %arg6[%add3A_236] : memref<87040xf32, #tpu.memory_space<vmem>>[vector<16xi32>], vector<16xf32>,
          %mul3A_238 = arith.mulf %get3A_210, %gather3A_237 : vector<16xf32>
          %add3A_239 = arith.addf %scan3A_190, %mul3A_238 : vector<16xf32>
          %add3A_240 = arith.constant 27200 : i32
          %add3A_241 = vector.broadcast %add3A_240 : i32 to vector<16xi32>
          %add3A_242 = arith.addi %convert_element_type3A, %add3A_241 : vector<16xi32>
          %gather3A_243 = tpu.vector_load_idx %arg6[%add3A_242] : memref<87040xf32, #tpu.memory_space<vmem>>[vector<16xi32>], vector<16xf32>,
          %mul3A_244 = arith.mulf %get3A_210, %gather3A_243 : vector<16xf32>
          %add3A_245 = arith.addf %scan3A_191, %mul3A_244 : vector<16xf32>
          %add3A_246 = arith.constant 32640 : i32
          %add3A_247 = vector.broadcast %add3A_246 : i32 to vector<16xi32>
          %add3A_248 = arith.addi %convert_element_type3A, %add3A_247 : vector<16xi32>
          %gather3A_249 = tpu.vector_load_idx %arg6[%add3A_248] : memref<87040xf32, #tpu.memory_space<vmem>>[vector<16xi32>], vector<16xf32>,
          %mul3A_250 = arith.mulf %get3A_210, %gather3A_249 : vector<16xf32>
          %add3A_251 = arith.addf %scan3A_192, %mul3A_250 : vector<16xf32>
          %add3A_252 = arith.constant 38080 : i32
          %add3A_253 = vector.broadcast %add3A_252 : i32 to vector<16xi32>
          %add3A_254 = arith.addi %convert_element_type3A, %add3A_253 : vector<16xi32>
          %gather3A_255 = tpu.vector_load_idx %arg6[%add3A_254] : memref<87040xf32, #tpu.memory_space<vmem>>[vector<16xi32>], vector<16xf32>,
          %mul3A_256 = arith.mulf %get3A_210, %gather3A_255 : vector<16xf32>
          %add3A_257 = arith.addf %scan3A_193, %mul3A_256 : vector<16xf32>
          %add3A_258 = arith.constant 43520 : i32
          %add3A_259 = vector.broadcast %add3A_258 : i32 to vector<16xi32>
          %add3A_260 = arith.addi %convert_element_type3A, %add3A_259 : vector<16xi32>
          %gather3A_261 = tpu.vector_load_idx %arg6[%add3A_260] : memref<87040xf32, #tpu.memory_space<vmem>>[vector<16xi32>], vector<16xf32>,
          %mul3A_262 = arith.mulf %get3A_210, %gather3A_261 : vector<16xf32>
          %add3A_263 = arith.addf %scan3A_194, %mul3A_262 : vector<16xf32>
          %add3A_264 = arith.constant 48960 : i32
          %add3A_265 = vector.broadcast %add3A_264 : i32 to vector<16xi32>
          %add3A_266 = arith.addi %convert_element_type3A, %add3A_265 : vector<16xi32>
          %gather3A_267 = tpu.vector_load_idx %arg6[%add3A_266] : memref<87040xf32, #tpu.memory_space<vmem>>[vector<16xi32>], vector<16xf32>,
          %mul3A_268 = arith.mulf %get3A_210, %gather3A_267 : vector<16xf32>
          %add3A_269 = arith.addf %scan3A_195, %mul3A_268 : vector<16xf32>
          %add3A_270 = arith.constant 54400 : i32
          %add3A_271 = vector.broadcast %add3A_270 : i32 to vector<16xi32>
          %add3A_272 = arith.addi %convert_element_type3A, %add3A_271 : vector<16xi32>
          %gather3A_273 = tpu.vector_load_idx %arg6[%add3A_272] : memref<87040xf32, #tpu.memory_space<vmem>>[vector<16xi32>], vector<16xf32>,
          %mul3A_274 = arith.mulf %get3A_210, %gather3A_273 : vector<16xf32>
          %add3A_275 = arith.addf %scan3A_196, %mul3A_274 : vector<16xf32>
          %add3A_276 = arith.constant 59840 : i32
          %add3A_277 = vector.broadcast %add3A_276 : i32 to vector<16xi32>
          %add3A_278 = arith.addi %convert_element_type3A, %add3A_277 : vector<16xi32>
          %gather3A_279 = tpu.vector_load_idx %arg6[%add3A_278] : memref<87040xf32, #tpu.memory_space<vmem>>[vector<16xi32>], vector<16xf32>,
          %mul3A_280 = arith.mulf %get3A_210, %gather3A_279 : vector<16xf32>
          %add3A_281 = arith.addf %scan3A_197, %mul3A_280 : vector<16xf32>
          %add3A_282 = arith.constant 65280 : i32
          %add3A_283 = vector.broadcast %add3A_282 : i32 to vector<16xi32>
          %add3A_284 = arith.addi %convert_element_type3A, %add3A_283 : vector<16xi32>
          %gather3A_285 = tpu.vector_load_idx %arg6[%add3A_284] : memref<87040xf32, #tpu.memory_space<vmem>>[vector<16xi32>], vector<16xf32>,
          %mul3A_286 = arith.mulf %get3A_210, %gather3A_285 : vector<16xf32>
          %add3A_287 = arith.addf %scan3A_198, %mul3A_286 : vector<16xf32>
          %add3A_288 = arith.constant 70720 : i32
          %add3A_289 = vector.broadcast %add3A_288 : i32 to vector<16xi32>
          %add3A_290 = arith.addi %convert_element_type3A, %add3A_289 : vector<16xi32>
          %gather3A_291 = tpu.vector_load_idx %arg6[%add3A_290] : memref<87040xf32, #tpu.memory_space<vmem>>[vector<16xi32>], vector<16xf32>,
          %mul3A_292 = arith.mulf %get3A_210, %gather3A_291 : vector<16xf32>
          %add3A_293 = arith.addf %scan3A_199, %mul3A_292 : vector<16xf32>
          %add3A_294 = arith.constant 76160 : i32
          %add3A_295 = vector.broadcast %add3A_294 : i32 to vector<16xi32>
          %add3A_296 = arith.addi %convert_element_type3A, %add3A_295 : vector<16xi32>
          %gather3A_297 = tpu.vector_load_idx %arg6[%add3A_296] : memref<87040xf32, #tpu.memory_space<vmem>>[vector<16xi32>], vector<16xf32>,
          %mul3A_298 = arith.mulf %get3A_210, %gather3A_297 : vector<16xf32>
          %add3A_299 = arith.addf %scan3A_200, %mul3A_298 : vector<16xf32>
          %add3A_300 = arith.constant 81600 : i32
          %add3A_301 = vector.broadcast %add3A_300 : i32 to vector<16xi32>
          %add3A_302 = arith.addi %convert_element_type3A, %add3A_301 : vector<16xi32>
          %gather3A_303 = tpu.vector_load_idx %arg6[%add3A_302] : memref<87040xf32, #tpu.memory_space<vmem>>[vector<16xi32>], vector<16xf32>,
          %mul3A_304 = arith.mulf %get3A_210, %gather3A_303 : vector<16xf32>
          %add3A_305 = arith.addf %scan3A_201, %mul3A_304 : vector<16xf32>
          scf.yield %add3A_215, %add3A_221, %add3A_227, %add3A_233, %add3A_239, %add3A_245, %add3A_251, %add3A_257, %add3A_263, %add3A_269, %add3A_275, %add3A_281, %add3A_287, %add3A_293, %add3A_299, %add3A_305 : vector<16xf32>, vector<16xf32>, vector<16xf32>, vector<16xf32>, vector<16xf32>, vector<16xf32>, vector<16xf32>, vector<16xf32>, vector<16xf32>, vector<16xf32>, vector<16xf32>, vector<16xf32>, vector<16xf32>, vector<16xf32>, vector<16xf32>, vector<16xf32>
        }
        %scan3A_120 = arith.constant 64 : i32
        %add3A_121 = arith.constant 0 : i32
        %add3A_122 = arith.addi %add3A_121, %mul3A_83 : i32
        %swap3A = arith.index_cast %add3A_122 : i32 to index
        %swap3A_123 = tpu.vector_load %arg9[%swap3A] {strides = array<i32>} : memref<2560xf32, #tpu.memory_space<vmem>>, vector<16xf32>,
        tpu.vector_store %arg9[%swap3A], %scan3A_119#0 {strides = array<i32>} : memref<2560xf32, #tpu.memory_space<vmem>>, vector<16xf32>,
        %add3A_124 = arith.constant 160 : i32
        %add3A_125 = arith.addi %add3A_124, %mul3A_83 : i32
        %swap3A_126 = arith.index_cast %add3A_125 : i32 to index
        %swap3A_127 = tpu.vector_load %arg9[%swap3A_126] {strides = array<i32>} : memref<2560xf32, #tpu.memory_space<vmem>>, vector<16xf32>,
        tpu.vector_store %arg9[%swap3A_126], %scan3A_119#1 {strides = array<i32>} : memref<2560xf32, #tpu.memory_space<vmem>>, vector<16xf32>,
        %add3A_128 = arith.constant 320 : i32
        %add3A_129 = arith.addi %add3A_128, %mul3A_83 : i32
        %swap3A_130 = arith.index_cast %add3A_129 : i32 to index
        %swap3A_131 = tpu.vector_load %arg9[%swap3A_130] {strides = array<i32>} : memref<2560xf32, #tpu.memory_space<vmem>>, vector<16xf32>,
        tpu.vector_store %arg9[%swap3A_130], %scan3A_119#2 {strides = array<i32>} : memref<2560xf32, #tpu.memory_space<vmem>>, vector<16xf32>,
        %add3A_132 = arith.constant 480 : i32
        %add3A_133 = arith.addi %add3A_132, %mul3A_83 : i32
        %swap3A_134 = arith.index_cast %add3A_133 : i32 to index
        %swap3A_135 = tpu.vector_load %arg9[%swap3A_134] {strides = array<i32>} : memref<2560xf32, #tpu.memory_space<vmem>>, vector<16xf32>,
        tpu.vector_store %arg9[%swap3A_134], %scan3A_119#3 {strides = array<i32>} : memref<2560xf32, #tpu.memory_space<vmem>>, vector<16xf32>,
        %add3A_136 = arith.constant 640 : i32
        %add3A_137 = arith.addi %add3A_136, %mul3A_83 : i32
        %swap3A_138 = arith.index_cast %add3A_137 : i32 to index
        %swap3A_139 = tpu.vector_load %arg9[%swap3A_138] {strides = array<i32>} : memref<2560xf32, #tpu.memory_space<vmem>>, vector<16xf32>,
        tpu.vector_store %arg9[%swap3A_138], %scan3A_119#4 {strides = array<i32>} : memref<2560xf32, #tpu.memory_space<vmem>>, vector<16xf32>,
        %add3A_140 = arith.constant 800 : i32
        %add3A_141 = arith.addi %add3A_140, %mul3A_83 : i32
        %swap3A_142 = arith.index_cast %add3A_141 : i32 to index
        %swap3A_143 = tpu.vector_load %arg9[%swap3A_142] {strides = array<i32>} : memref<2560xf32, #tpu.memory_space<vmem>>, vector<16xf32>,
        tpu.vector_store %arg9[%swap3A_142], %scan3A_119#5 {strides = array<i32>} : memref<2560xf32, #tpu.memory_space<vmem>>, vector<16xf32>,
        %add3A_144 = arith.constant 960 : i32
        %add3A_145 = arith.addi %add3A_144, %mul3A_83 : i32
        %swap3A_146 = arith.index_cast %add3A_145 : i32 to index
        %swap3A_147 = tpu.vector_load %arg9[%swap3A_146] {strides = array<i32>} : memref<2560xf32, #tpu.memory_space<vmem>>, vector<16xf32>,
        tpu.vector_store %arg9[%swap3A_146], %scan3A_119#6 {strides = array<i32>} : memref<2560xf32, #tpu.memory_space<vmem>>, vector<16xf32>,
        %add3A_148 = arith.constant 1120 : i32
        %add3A_149 = arith.addi %add3A_148, %mul3A_83 : i32
        %swap3A_150 = arith.index_cast %add3A_149 : i32 to index
        %swap3A_151 = tpu.vector_load %arg9[%swap3A_150] {strides = array<i32>} : memref<2560xf32, #tpu.memory_space<vmem>>, vector<16xf32>,
        tpu.vector_store %arg9[%swap3A_150], %scan3A_119#7 {strides = array<i32>} : memref<2560xf32, #tpu.memory_space<vmem>>, vector<16xf32>,
        %add3A_152 = arith.constant 1280 : i32
        %add3A_153 = arith.addi %add3A_152, %mul3A_83 : i32
        %swap3A_154 = arith.index_cast %add3A_153 : i32 to index
        %swap3A_155 = tpu.vector_load %arg9[%swap3A_154] {strides = array<i32>} : memref<2560xf32, #tpu.memory_space<vmem>>, vector<16xf32>,
        tpu.vector_store %arg9[%swap3A_154], %scan3A_119#8 {strides = array<i32>} : memref<2560xf32, #tpu.memory_space<vmem>>, vector<16xf32>,
        %add3A_156 = arith.constant 1440 : i32
        %add3A_157 = arith.addi %add3A_156, %mul3A_83 : i32
        %swap3A_158 = arith.index_cast %add3A_157 : i32 to index
        %swap3A_159 = tpu.vector_load %arg9[%swap3A_158] {strides = array<i32>} : memref<2560xf32, #tpu.memory_space<vmem>>, vector<16xf32>,
        tpu.vector_store %arg9[%swap3A_158], %scan3A_119#9 {strides = array<i32>} : memref<2560xf32, #tpu.memory_space<vmem>>, vector<16xf32>,
        %add3A_160 = arith.constant 1600 : i32
        %add3A_161 = arith.addi %add3A_160, %mul3A_83 : i32
        %swap3A_162 = arith.index_cast %add3A_161 : i32 to index
        %swap3A_163 = tpu.vector_load %arg9[%swap3A_162] {strides = array<i32>} : memref<2560xf32, #tpu.memory_space<vmem>>, vector<16xf32>,
        tpu.vector_store %arg9[%swap3A_162], %scan3A_119#10 {strides = array<i32>} : memref<2560xf32, #tpu.memory_space<vmem>>, vector<16xf32>,
        %add3A_164 = arith.constant 1760 : i32
        %add3A_165 = arith.addi %add3A_164, %mul3A_83 : i32
        %swap3A_166 = arith.index_cast %add3A_165 : i32 to index
        %swap3A_167 = tpu.vector_load %arg9[%swap3A_166] {strides = array<i32>} : memref<2560xf32, #tpu.memory_space<vmem>>, vector<16xf32>,
        tpu.vector_store %arg9[%swap3A_166], %scan3A_119#11 {strides = array<i32>} : memref<2560xf32, #tpu.memory_space<vmem>>, vector<16xf32>,
        %add3A_168 = arith.constant 1920 : i32
        %add3A_169 = arith.addi %add3A_168, %mul3A_83 : i32
        %swap3A_170 = arith.index_cast %add3A_169 : i32 to index
        %swap3A_171 = tpu.vector_load %arg9[%swap3A_170] {strides = array<i32>} : memref<2560xf32, #tpu.memory_space<vmem>>, vector<16xf32>,
        tpu.vector_store %arg9[%swap3A_170], %scan3A_119#12 {strides = array<i32>} : memref<2560xf32, #tpu.memory_space<vmem>>, vector<16xf32>,
        %add3A_172 = arith.constant 2080 : i32
        %add3A_173 = arith.addi %add3A_172, %mul3A_83 : i32
        %swap3A_174 = arith.index_cast %add3A_173 : i32 to index
        %swap3A_175 = tpu.vector_load %arg9[%swap3A_174] {strides = array<i32>} : memref<2560xf32, #tpu.memory_space<vmem>>, vector<16xf32>,
        tpu.vector_store %arg9[%swap3A_174], %scan3A_119#13 {strides = array<i32>} : memref<2560xf32, #tpu.memory_space<vmem>>, vector<16xf32>,
        %add3A_176 = arith.constant 2240 : i32
        %add3A_177 = arith.addi %add3A_176, %mul3A_83 : i32
        %swap3A_178 = arith.index_cast %add3A_177 : i32 to index
        %swap3A_179 = tpu.vector_load %arg9[%swap3A_178] {strides = array<i32>} : memref<2560xf32, #tpu.memory_space<vmem>>, vector<16xf32>,
        tpu.vector_store %arg9[%swap3A_178], %scan3A_119#14 {strides = array<i32>} : memref<2560xf32, #tpu.memory_space<vmem>>, vector<16xf32>,
        %add3A_180 = arith.constant 2400 : i32
        %add3A_181 = arith.addi %add3A_180, %mul3A_83 : i32
        %swap3A_182 = arith.index_cast %add3A_181 : i32 to index
        %swap3A_183 = tpu.vector_load %arg9[%swap3A_182] {strides = array<i32>} : memref<2560xf32, #tpu.memory_space<vmem>>, vector<16xf32>,
        tpu.vector_store %arg9[%swap3A_182], %scan3A_119#15 {strides = array<i32>} : memref<2560xf32, #tpu.memory_space<vmem>>, vector<16xf32>,
        %scan3A_184 = arith.constant 0 : i32
        scf.yield %scan3A_184 : i32
      }
      %scan3A_73 = arith.constant 10 : i32
      %mul3A_74 = arith.constant 34 : i32
      %mul3A_75 = arith.muli %add3A, %mul3A_74 : i32
      %add3A_76 = arith.addi %mul3A_75, %scan3A_63 : i32
      %mul3A_77 = arith.constant 2560 : i32
      %mul3A_78 = arith.muli %add3A_76, %mul3A_77 : i32
      "tpu.region"() ({
        %run_scoped3A = tpu.sem_alloc : memref<!tpu.dma_semaphore, #tpu.memory_space<semaphore_mem>>
        %dma_start3A = tpu.memref_slice %arg5[%mul3A_78] : memref<2785280xf32, #tpu.memory_space<hbm>> -> memref<2560xf32, #tpu.memory_space<hbm>>
        %dma_start3A_80 = tpu.memref_slice %arg5[%mul3A_78] : memref<2785280xf32, #tpu.memory_space<hbm>> -> memref<2560xf32, #tpu.memory_space<hbm>>
        tpu.enqueue_dma source(%arg9 : memref<2560xf32, #tpu.memory_space<vmem>>) target(%dma_start3A_80 : memref<2560xf32, #tpu.memory_space<hbm>>) target_semaphore(%run_scoped3A : memref<!tpu.dma_semaphore, #tpu.memory_space<semaphore_mem>>)
        %dma_wait3A = tpu.memref_slice %arg5[%mul3A_78] : memref<2785280xf32, #tpu.memory_space<hbm>> -> memref<2560xf32, #tpu.memory_space<hbm>>
        %dma_wait3A_81 = tpu.memref_slice %arg5[%mul3A_78] : memref<2785280xf32, #tpu.memory_space<hbm>> -> memref<2560xf32, #tpu.memory_space<hbm>>
        tpu.wait_dma2 semaphore(%run_scoped3A : memref<!tpu.dma_semaphore, #tpu.memory_space<semaphore_mem>>) src(%arg9 : memref<2560xf32, #tpu.memory_space<vmem>>) dst(%dma_wait3A_81 : memref<2560xf32, #tpu.memory_space<hbm>>)
        tpu.yield
      }) : () -> ()
      %scan3A_79 = arith.constant 0 : i32
      scf.yield %scan3A_79 : i32
    }
    %scan3A_62 = arith.constant 34 : i32
    return
  }
}

module attributes {stable_mosaic.version = 14 : i64} {
  func.func @_vproj_kernel(%arg0: i32, %arg1: memref<1x5440x256xf32, #tpu.memory_space<vmem>>, %arg2: memref<256x256xf32, #tpu.memory_space<vmem>>, %arg3: memref<256xf32, #tpu.memory_space<vmem>>, %arg4: memref<1x256x5440xf32, #tpu.memory_space<vmem>>) attributes {dimension_semantics = [#tpu.dimension_semantics<arbitrary>], iteration_bounds = array<i64: 2>, scalar_prefetch = 0 : i64, scratch_operands = 0 : i64, tpu.core_type = #tpu.core_type<tc>, window_params = [{transform_indices = @transform_0, window_bounds = array<i64: 1, 5440, 256>}, {pipeline_mode = #tpu.pipeline_mode<synchronous>, transform_indices = @transform_1, window_bounds = array<i64: 256, 256>}, {pipeline_mode = #tpu.pipeline_mode<synchronous>, transform_indices = @transform_2, window_bounds = array<i64: 256>}, {transform_indices = @transform_3, window_bounds = array<i64: 1, 256, 5440>}]} {
    %get3A = arith.constant 0 : index
    %get3A_0 = arith.constant 0 : index
    %get3A_1 = vector.load %arg2[%get3A, %get3A_0] : memref<256x256xf32, #tpu.memory_space<vmem>>, vector<256x256xf32>
    %get3A_2 = arith.constant 0 : index
    %get3A_3 = arith.constant 0 : index
    %get3A_4 = arith.constant 0 : index
    %get3A_5 = vector.load %arg1[%get3A_2, %get3A_3, %get3A_4] : memref<1x5440x256xf32, #tpu.memory_space<vmem>>, vector<1x5440x256xf32>
    %get3A_6 = vector.shape_cast %get3A_5 : vector<1x5440x256xf32> to vector<5440x256xf32>
    %dot_general3A = arith.constant dense<0.000000e+00> : vector<256x5440xf32>
    %dot_general3A_7 = tpu.matmul %get3A_1, %get3A_6, %dot_general3A {dimension_numbers = #tpu.dot_dimension_numbers<[0], [1], [1], [0], [0, 1, 1, 0], [], []>, transpose_lhs_hint = false} : vector<256x256xf32>, vector<5440x256xf32>, vector<256x5440xf32> -> vector<256x5440xf32>
    %get3A_8 = arith.constant 0 : index
    %get3A_9 = vector.load %arg3[%get3A_8] : memref<256xf32, #tpu.memory_space<vmem>>, vector<256xf32>
    %broadcast_in_dim3A = vector.shape_cast %get3A_9 : vector<256xf32> to vector<256x1xf32>
    %add3A = vector.broadcast %broadcast_in_dim3A : vector<256x1xf32> to vector<256x5440xf32>
    %add3A_10 = arith.addf %dot_general3A_7, %add3A : vector<256x5440xf32>
    %swap3A = arith.constant 0 : index
    %swap3A_11 = arith.constant 0 : index
    %swap3A_12 = arith.constant 0 : index
    %swap3A_13 = vector.load %arg4[%swap3A, %swap3A_11, %swap3A_12] : memref<1x256x5440xf32, #tpu.memory_space<vmem>>, vector<1x256x5440xf32>
    %swap3A_14 = vector.shape_cast %swap3A_13 : vector<1x256x5440xf32> to vector<256x5440xf32>
    %swap3A_15 = vector.shape_cast %add3A_10 : vector<256x5440xf32> to vector<1x256x5440xf32>
    tpu.vector_store %arg4[%swap3A, %swap3A_11, %swap3A_12], %swap3A_15 {strides = array<i32>} : memref<1x256x5440xf32, #tpu.memory_space<vmem>>, vector<1x256x5440xf32>,
    return
  }
  func.func @transform_0(%arg0: i32) -> (i32, i32, i32) {
    %c0_i32 = arith.constant 0 : i32
    %c0_i32_0 = arith.constant 0 : i32
    %c0_i32_1 = arith.constant 0 : i32
    return %arg0, %c0_i32, %c0_i32_0 : i32, i32, i32
  }
  func.func @transform_1(%arg0: i32) -> (i32, i32) {
    %c0_i32 = arith.constant 0 : i32
    %c0_i32_0 = arith.constant 0 : i32
    %c0_i32_1 = arith.constant 0 : i32
    return %c0_i32, %c0_i32_0 : i32, i32
  }
  func.func @transform_2(%arg0: i32) -> i32 {
    %c0_i32 = arith.constant 0 : i32
    %c0_i32_0 = arith.constant 0 : i32
    return %c0_i32 : i32
  }
  func.func @transform_3(%arg0: i32) -> (i32, i32, i32) {
    %c0_i32 = arith.constant 0 : i32
    %c0_i32_0 = arith.constant 0 : i32
    %c0_i32_1 = arith.constant 0 : i32
    return %arg0, %c0_i32, %c0_i32_0 : i32, i32, i32
  }
}

module attributes {stable_mosaic.version = 14 : i64} {
  func.func @_prep_kernel(%arg0: i32, %arg1: i32, %arg2: memref<1x160x256xf32, #tpu.memory_space<vmem>>, %arg3: memref<1x160x128xf32, #tpu.memory_space<vmem>>, %arg4: memref<1x160x128xf32, #tpu.memory_space<vmem>>, %arg5: memref<256x128xf32, #tpu.memory_space<vmem>>, %arg6: memref<256x128xf32, #tpu.memory_space<vmem>>, %arg7: memref<128xf32, #tpu.memory_space<vmem>>, %arg8: memref<128xf32, #tpu.memory_space<vmem>>, %arg9: memref<256x128xf32, #tpu.memory_space<vmem>>, %arg10: memref<128xf32, #tpu.memory_space<vmem>>, %arg11: memref<128x128xf32, #tpu.memory_space<vmem>>, %arg12: memref<8x128xf32, #tpu.memory_space<vmem>>, %arg13: memref<1x1x512x160xf32, #tpu.memory_space<vmem>>, %arg14: memref<1x1x512x160xf32, #tpu.memory_space<vmem>>) attributes {dimension_semantics = [#tpu.dimension_semantics<arbitrary>, #tpu.dimension_semantics<arbitrary>], iteration_bounds = array<i64: 2, 34>, scalar_prefetch = 0 : i64, scratch_operands = 0 : i64, tpu.core_type = #tpu.core_type<tc>, window_params = [{transform_indices = @transform_0, window_bounds = array<i64: 1, 160, 256>}, {transform_indices = @transform_1, window_bounds = array<i64: 1, 160, 128>}, {transform_indices = @transform_2, window_bounds = array<i64: 1, 160, 128>}, {pipeline_mode = #tpu.pipeline_mode<synchronous>, transform_indices = @transform_3, window_bounds = array<i64: 256, 128>}, {pipeline_mode = #tpu.pipeline_mode<synchronous>, transform_indices = @transform_4, window_bounds = array<i64: 256, 128>}, {pipeline_mode = #tpu.pipeline_mode<synchronous>, transform_indices = @transform_5, window_bounds = array<i64: 128>}, {pipeline_mode = #tpu.pipeline_mode<synchronous>, transform_indices = @transform_6, window_bounds = array<i64: 128>}, {pipeline_mode = #tpu.pipeline_mode<synchronous>, transform_indices = @transform_7, window_bounds = array<i64: 256, 128>}, {pipeline_mode = #tpu.pipeline_mode<synchronous>, transform_indices = @transform_8, window_bounds = array<i64: 128>}, {pipeline_mode = #tpu.pipeline_mode<synchronous>, transform_indices = @transform_9, window_bounds = array<i64: 128, 128>}, {pipeline_mode = #tpu.pipeline_mode<synchronous>, transform_indices = @transform_10, window_bounds = array<i64: 8, 128>}, {transform_indices = @transform_11, window_bounds = array<i64: 1, 1, 512, 160>}, {transform_indices = @transform_12, window_bounds = array<i64: 1, 1, 512, 160>}]} {
    %get3A = arith.constant 0 : index
    %get3A_0 = arith.constant 0 : index
    %get3A_1 = arith.constant 0 : index
    %get3A_2 = vector.load %arg2[%get3A, %get3A_0, %get3A_1] : memref<1x160x256xf32, #tpu.memory_space<vmem>>, vector<1x160x256xf32>
    %get3A_3 = vector.shape_cast %get3A_2 : vector<1x160x256xf32> to vector<160x256xf32>
    %get3A_4 = arith.constant 0 : index
    %get3A_5 = arith.constant 0 : index
    %get3A_6 = vector.load %arg5[%get3A_4, %get3A_5] : memref<256x128xf32, #tpu.memory_space<vmem>>, vector<256x128xf32>
    %dot_general3A = arith.constant dense<0.000000e+00> : vector<160x128xf32>
    %dot_general3A_7 = tpu.matmul %get3A_3, %get3A_6, %dot_general3A {dimension_numbers = #tpu.dot_dimension_numbers<[1], [0], [0], [1], [0, 0, 1, 1], [], []>, transpose_lhs_hint = false} : vector<160x256xf32>, vector<256x128xf32>, vector<160x128xf32> -> vector<160x128xf32>
    %get3A_8 = arith.constant 0 : index
    %get3A_9 = vector.load %arg7[%get3A_8] : memref<128xf32, #tpu.memory_space<vmem>>, vector<128xf32>
    %broadcast_in_dim3A = vector.shape_cast %get3A_9 : vector<128xf32> to vector<1x128xf32>
    %add3A = vector.broadcast %broadcast_in_dim3A : vector<1x128xf32> to vector<160x128xf32>
    %add3A_10 = arith.addf %dot_general3A_7, %add3A : vector<160x128xf32>
    %get3A_11 = arith.constant 0 : index
    %get3A_12 = arith.constant 0 : index
    %get3A_13 = vector.load %arg6[%get3A_11, %get3A_12] : memref<256x128xf32, #tpu.memory_space<vmem>>, vector<256x128xf32>
    %dot_general3A_14 = arith.constant dense<0.000000e+00> : vector<160x128xf32>
    %dot_general3A_15 = tpu.matmul %get3A_3, %get3A_13, %dot_general3A_14 {dimension_numbers = #tpu.dot_dimension_numbers<[1], [0], [0], [1], [0, 0, 1, 1], [], []>, transpose_lhs_hint = false} : vector<160x256xf32>, vector<256x128xf32>, vector<160x128xf32> -> vector<160x128xf32>
    %get3A_16 = arith.constant 0 : index
    %get3A_17 = vector.load %arg8[%get3A_16] : memref<128xf32, #tpu.memory_space<vmem>>, vector<128xf32>
    %broadcast_in_dim3A_18 = vector.shape_cast %get3A_17 : vector<128xf32> to vector<1x128xf32>
    %add3A_19 = vector.broadcast %broadcast_in_dim3A_18 : vector<1x128xf32> to vector<160x128xf32>
    %add3A_20 = arith.addf %dot_general3A_15, %add3A_19 : vector<160x128xf32>
    %get3A_21 = arith.constant 0 : index
    %get3A_22 = arith.constant 0 : index
    %get3A_23 = vector.load %arg9[%get3A_21, %get3A_22] : memref<256x128xf32, #tpu.memory_space<vmem>>, vector<256x128xf32>
    %dot_general3A_24 = arith.constant dense<0.000000e+00> : vector<160x128xf32>
    %dot_general3A_25 = tpu.matmul %get3A_3, %get3A_23, %dot_general3A_24 {dimension_numbers = #tpu.dot_dimension_numbers<[1], [0], [0], [1], [0, 0, 1, 1], [], []>, transpose_lhs_hint = false} : vector<160x256xf32>, vector<256x128xf32>, vector<160x128xf32> -> vector<160x128xf32>
    %get3A_26 = arith.constant 0 : index
    %get3A_27 = vector.load %arg10[%get3A_26] : memref<128xf32, #tpu.memory_space<vmem>>, vector<128xf32>
    %broadcast_in_dim3A_28 = vector.shape_cast %get3A_27 : vector<128xf32> to vector<1x128xf32>
    %add3A_29 = vector.broadcast %broadcast_in_dim3A_28 : vector<1x128xf32> to vector<160x128xf32>
    %add3A_30 = arith.addf %dot_general3A_25, %add3A_29 : vector<160x128xf32>
    %exp3A = math.exp %add3A_30 : vector<160x128xf32>
    %get3A_31 = arith.constant 0 : index
    %get3A_32 = arith.constant 0 : index
    %get3A_33 = vector.load %arg11[%get3A_31, %get3A_32] : memref<128x128xf32, #tpu.memory_space<vmem>>, vector<128x128xf32>
    %dot_general3A_34 = arith.constant dense<0.000000e+00> : vector<160x128xf32>
    %dot_general3A_35 = tpu.matmul %exp3A, %get3A_33, %dot_general3A_34 {dimension_numbers = #tpu.dot_dimension_numbers<[1], [0], [0], [1], [0, 0, 1, 1], [], []>, transpose_lhs_hint = false} : vector<160x128xf32>, vector<128x128xf32>, vector<160x128xf32> -> vector<160x128xf32>
    %div3A = arith.divf %exp3A, %dot_general3A_35 : vector<160x128xf32>
    %get3A_36 = arith.constant 0 : index
    %get3A_37 = arith.constant 0 : index
    %get3A_38 = vector.load %arg12[%get3A_36, %get3A_37] : memref<8x128xf32, #tpu.memory_space<vmem>>, vector<1x128xf32>
    %get3A_39 = arith.constant 1 : index
    %get3A_40 = arith.constant 0 : index
    %get3A_41 = vector.load %arg12[%get3A_39, %get3A_40] : memref<8x128xf32, #tpu.memory_space<vmem>>, vector<1x128xf32>
    %get3A_42 = arith.constant 2 : index
    %get3A_43 = arith.constant 0 : index
    %get3A_44 = vector.load %arg12[%get3A_42, %get3A_43] : memref<8x128xf32, #tpu.memory_space<vmem>>, vector<1x128xf32>
    %get3A_45 = arith.constant 0 : index
    %get3A_46 = arith.constant 0 : index
    %get3A_47 = arith.constant 0 : index
    %get3A_48 = vector.load %arg3[%get3A_45, %get3A_46, %get3A_47] : memref<1x160x128xf32, #tpu.memory_space<vmem>>, vector<1x160x128xf32>
    %get3A_49 = vector.shape_cast %get3A_48 : vector<1x160x128xf32> to vector<160x128xf32>
    %div3A_50 = arith.constant 1.000000e+00 : f32
    %div3A_51 = vector.broadcast %div3A_50 : f32 to vector<1x128xf32>
    %div3A_52 = arith.divf %div3A_51, %get3A_38 : vector<1x128xf32>
    %mul3A = vector.broadcast %div3A_52 : vector<1x128xf32> to vector<160x128xf32>
    %mul3A_53 = arith.mulf %add3A_10, %mul3A : vector<160x128xf32>
    %add3A_54 = arith.addf %get3A_49, %mul3A_53 : vector<160x128xf32>
    %mul3A_55 = arith.constant 2.000000e+00 : f32
    %mul3A_56 = vector.broadcast %mul3A_55 : f32 to vector<160x128xf32>
    %mul3A_57 = arith.mulf %mul3A_56, %add3A_54 : vector<160x128xf32>
    %sub3A = arith.constant 1.000000e+00 : f32
    %sub3A_58 = vector.broadcast %sub3A : f32 to vector<160x128xf32>
    %sub3A_59 = arith.subf %mul3A_57, %sub3A_58 : vector<160x128xf32>
    %get3A_60 = arith.constant 0 : index
    %get3A_61 = arith.constant 0 : index
    %get3A_62 = arith.constant 0 : index
    %get3A_63 = vector.load %arg4[%get3A_60, %get3A_61, %get3A_62] : memref<1x160x128xf32, #tpu.memory_space<vmem>>, vector<1x160x128xf32>
    %get3A_64 = vector.shape_cast %get3A_63 : vector<1x160x128xf32> to vector<160x128xf32>
    %div3A_65 = arith.constant 1.000000e+00 : f32
    %div3A_66 = vector.broadcast %div3A_65 : f32 to vector<1x128xf32>
    %div3A_67 = arith.divf %div3A_66, %get3A_41 : vector<1x128xf32>
    %mul3A_68 = vector.broadcast %div3A_67 : vector<1x128xf32> to vector<160x128xf32>
    %mul3A_69 = arith.mulf %add3A_20, %mul3A_68 : vector<160x128xf32>
    %add3A_70 = arith.addf %get3A_64, %mul3A_69 : vector<160x128xf32>
    %mul3A_71 = arith.constant 2.000000e+00 : f32
    %mul3A_72 = vector.broadcast %mul3A_71 : f32 to vector<160x128xf32>
    %mul3A_73 = arith.mulf %mul3A_72, %add3A_70 : vector<160x128xf32>
    %sub3A_74 = arith.constant 1.000000e+00 : f32
    %sub3A_75 = vector.broadcast %sub3A_74 : f32 to vector<160x128xf32>
    %sub3A_76 = arith.subf %mul3A_73, %sub3A_75 : vector<160x128xf32>
    %add3A_77 = arith.constant 1.000000e+00 : f32
    %add3A_78 = vector.broadcast %add3A_77 : f32 to vector<160x128xf32>
    %add3A_79 = arith.addf %sub3A_59, %add3A_78 : vector<160x128xf32>
    %mul3A_80 = vector.broadcast %get3A_38 : vector<1x128xf32> to vector<160x128xf32>
    %mul3A_81 = arith.mulf %add3A_79, %mul3A_80 : vector<160x128xf32>
    %sub3A_82 = arith.constant 1.000000e+00 : f32
    %sub3A_83 = vector.broadcast %sub3A_82 : f32 to vector<160x128xf32>
    %sub3A_84 = arith.subf %mul3A_81, %sub3A_83 : vector<160x128xf32>
    %mul3A_85 = arith.constant 5.000000e-01 : f32
    %mul3A_86 = vector.broadcast %mul3A_85 : f32 to vector<160x128xf32>
    %mul3A_87 = arith.mulf %sub3A_84, %mul3A_86 : vector<160x128xf32>
    %add3A_88 = arith.constant 1.000000e+00 : f32
    %add3A_89 = vector.broadcast %add3A_88 : f32 to vector<160x128xf32>
    %add3A_90 = arith.addf %sub3A_76, %add3A_89 : vector<160x128xf32>
    %mul3A_91 = vector.broadcast %get3A_41 : vector<1x128xf32> to vector<160x128xf32>
    %mul3A_92 = arith.mulf %add3A_90, %mul3A_91 : vector<160x128xf32>
    %sub3A_93 = arith.constant 1.000000e+00 : f32
    %sub3A_94 = vector.broadcast %sub3A_93 : f32 to vector<160x128xf32>
    %sub3A_95 = arith.subf %mul3A_92, %sub3A_94 : vector<160x128xf32>
    %mul3A_96 = arith.constant 5.000000e-01 : f32
    %mul3A_97 = vector.broadcast %mul3A_96 : f32 to vector<160x128xf32>
    %mul3A_98 = arith.mulf %sub3A_95, %mul3A_97 : vector<160x128xf32>
    %floor3A = math.floor %mul3A_87 : vector<160x128xf32>
    %floor3A_99 = math.floor %mul3A_98 : vector<160x128xf32>
    %sub3A_100 = arith.subf %mul3A_87, %floor3A : vector<160x128xf32>
    %sub3A_101 = arith.subf %mul3A_98, %floor3A_99 : vector<160x128xf32>
    %sub3A_102 = arith.constant 1.000000e+00 : f32
    %sub3A_103 = vector.broadcast %sub3A_102 : f32 to vector<160x128xf32>
    %sub3A_104 = arith.subf %sub3A_103, %sub3A_100 : vector<160x128xf32>
    %sub3A_105 = arith.constant 1.000000e+00 : f32
    %sub3A_106 = vector.broadcast %sub3A_105 : f32 to vector<160x128xf32>
    %sub3A_107 = arith.subf %sub3A_106, %sub3A_101 : vector<160x128xf32>
    %mul3A_108 = arith.mulf %sub3A_104, %sub3A_107 : vector<160x128xf32>
    %add3A_109 = arith.constant 1.000000e+00 : f32
    %add3A_110 = vector.broadcast %add3A_109 : f32 to vector<160x128xf32>
    %add3A_111 = arith.addf %floor3A, %add3A_110 : vector<160x128xf32>
    %mul3A_112 = arith.mulf %sub3A_100, %sub3A_107 : vector<160x128xf32>
    %add3A_113 = arith.constant 1.000000e+00 : f32
    %add3A_114 = vector.broadcast %add3A_113 : f32 to vector<160x128xf32>
    %add3A_115 = arith.addf %floor3A_99, %add3A_114 : vector<160x128xf32>
    %mul3A_116 = arith.mulf %sub3A_104, %sub3A_101 : vector<160x128xf32>
    %add3A_117 = arith.constant 1.000000e+00 : f32
    %add3A_118 = vector.broadcast %add3A_117 : f32 to vector<160x128xf32>
    %add3A_119 = arith.addf %floor3A, %add3A_118 : vector<160x128xf32>
    %add3A_120 = arith.constant 1.000000e+00 : f32
    %add3A_121 = vector.broadcast %add3A_120 : f32 to vector<160x128xf32>
    %add3A_122 = arith.addf %floor3A_99, %add3A_121 : vector<160x128xf32>
    %mul3A_123 = arith.mulf %sub3A_100, %sub3A_101 : vector<160x128xf32>
    %ge3A = arith.constant 0.000000e+00 : f32
    %ge3A_124 = vector.broadcast %ge3A : f32 to vector<160x128xf32>
    %ge3A_125 = arith.cmpf oge, %floor3A, %ge3A_124 : vector<160x128xf32>
    %sub3A_126 = arith.constant 1.000000e+00 : f32
    %sub3A_127 = vector.broadcast %sub3A_126 : f32 to vector<1x128xf32>
    %sub3A_128 = arith.subf %get3A_38, %sub3A_127 : vector<1x128xf32>
    %le3A = vector.broadcast %sub3A_128 : vector<1x128xf32> to vector<160x128xf32>
    %le3A_129 = arith.cmpf ole, %floor3A, %le3A : vector<160x128xf32>
    %and3A = arith.andi %ge3A_125, %le3A_129 : vector<160x128xi1>
    %ge3A_130 = arith.constant 0.000000e+00 : f32
    %ge3A_131 = vector.broadcast %ge3A_130 : f32 to vector<160x128xf32>
    %ge3A_132 = arith.cmpf oge, %floor3A_99, %ge3A_131 : vector<160x128xf32>
    %and3A_133 = arith.andi %and3A, %ge3A_132 : vector<160x128xi1>
    %sub3A_134 = arith.constant 1.000000e+00 : f32
    %sub3A_135 = vector.broadcast %sub3A_134 : f32 to vector<1x128xf32>
    %sub3A_136 = arith.subf %get3A_41, %sub3A_135 : vector<1x128xf32>
    %le3A_137 = vector.broadcast %sub3A_136 : vector<1x128xf32> to vector<160x128xf32>
    %le3A_138 = arith.cmpf ole, %floor3A_99, %le3A_137 : vector<160x128xf32>
    %and3A_139 = arith.andi %and3A_133, %le3A_138 : vector<160x128xi1>
    %convert_element_type3A = arith.extui %and3A_139 : vector<160x128xi1> to vector<160x128xi32>
    %convert_element_type3A_140 = arith.sitofp %convert_element_type3A : vector<160x128xi32> to vector<160x128xf32>
    %sub3A_141 = arith.constant 1.000000e+00 : f32
    %sub3A_142 = vector.broadcast %sub3A_141 : f32 to vector<1x128xf32>
    %sub3A_143 = arith.subf %get3A_38, %sub3A_142 : vector<1x128xf32>
    %jit3A = arith.constant 0.000000e+00 : f32
    %max3A = vector.broadcast %jit3A : f32 to vector<160x128xf32>
    %max3A_144 = arith.maximumf %max3A, %floor3A : vector<160x128xf32>
    %min3A = vector.broadcast %sub3A_143 : vector<1x128xf32> to vector<160x128xf32>
    %min3A_145 = arith.minimumf %min3A, %max3A_144 : vector<160x128xf32>
    %sub3A_146 = arith.constant 1.000000e+00 : f32
    %sub3A_147 = vector.broadcast %sub3A_146 : f32 to vector<1x128xf32>
    %sub3A_148 = arith.subf %get3A_41, %sub3A_147 : vector<1x128xf32>
    %jit3A_149 = arith.constant 0.000000e+00 : f32
    %max3A_150 = vector.broadcast %jit3A_149 : f32 to vector<160x128xf32>
    %max3A_151 = arith.maximumf %max3A_150, %floor3A_99 : vector<160x128xf32>
    %min3A_152 = vector.broadcast %sub3A_148 : vector<1x128xf32> to vector<160x128xf32>
    %min3A_153 = arith.minimumf %min3A_152, %max3A_151 : vector<160x128xf32>
    %mul3A_154 = vector.broadcast %get3A_38 : vector<1x128xf32> to vector<160x128xf32>
    %mul3A_155 = arith.mulf %min3A_153, %mul3A_154 : vector<160x128xf32>
    %add3A_156 = arith.addf %mul3A_155, %min3A_145 : vector<160x128xf32>
    %add3A_157 = vector.broadcast %get3A_44 : vector<1x128xf32> to vector<160x128xf32>
    %add3A_158 = arith.addf %add3A_156, %add3A_157 : vector<160x128xf32>
    %transpose3A = tpu.transpose %add3A_158, [1, 0] : vector<160x128xf32> -> vector<128x160xf32>
    %mul3A_159 = arith.mulf %mul3A_108, %convert_element_type3A_140 : vector<160x128xf32>
    %mul3A_160 = arith.mulf %mul3A_159, %div3A : vector<160x128xf32>
    %transpose3A_161 = tpu.transpose %mul3A_160, [1, 0] : vector<160x128xf32> -> vector<128x160xf32>
    %ge3A_162 = arith.constant 0.000000e+00 : f32
    %ge3A_163 = vector.broadcast %ge3A_162 : f32 to vector<160x128xf32>
    %ge3A_164 = arith.cmpf oge, %add3A_111, %ge3A_163 : vector<160x128xf32>
    %sub3A_165 = arith.constant 1.000000e+00 : f32
    %sub3A_166 = vector.broadcast %sub3A_165 : f32 to vector<1x128xf32>
    %sub3A_167 = arith.subf %get3A_38, %sub3A_166 : vector<1x128xf32>
    %le3A_168 = vector.broadcast %sub3A_167 : vector<1x128xf32> to vector<160x128xf32>
    %le3A_169 = arith.cmpf ole, %add3A_111, %le3A_168 : vector<160x128xf32>
    %and3A_170 = arith.andi %ge3A_164, %le3A_169 : vector<160x128xi1>
    %ge3A_171 = arith.constant 0.000000e+00 : f32
    %ge3A_172 = vector.broadcast %ge3A_171 : f32 to vector<160x128xf32>
    %ge3A_173 = arith.cmpf oge, %floor3A_99, %ge3A_172 : vector<160x128xf32>
    %and3A_174 = arith.andi %and3A_170, %ge3A_173 : vector<160x128xi1>
    %sub3A_175 = arith.constant 1.000000e+00 : f32
    %sub3A_176 = vector.broadcast %sub3A_175 : f32 to vector<1x128xf32>
    %sub3A_177 = arith.subf %get3A_41, %sub3A_176 : vector<1x128xf32>
    %le3A_178 = vector.broadcast %sub3A_177 : vector<1x128xf32> to vector<160x128xf32>
    %le3A_179 = arith.cmpf ole, %floor3A_99, %le3A_178 : vector<160x128xf32>
    %and3A_180 = arith.andi %and3A_174, %le3A_179 : vector<160x128xi1>
    %convert_element_type3A_181 = arith.extui %and3A_180 : vector<160x128xi1> to vector<160x128xi32>
    %convert_element_type3A_182 = arith.sitofp %convert_element_type3A_181 : vector<160x128xi32> to vector<160x128xf32>
    %sub3A_183 = arith.constant 1.000000e+00 : f32
    %sub3A_184 = vector.broadcast %sub3A_183 : f32 to vector<1x128xf32>
    %sub3A_185 = arith.subf %get3A_38, %sub3A_184 : vector<1x128xf32>
    %jit3A_186 = arith.constant 0.000000e+00 : f32
    %max3A_187 = vector.broadcast %jit3A_186 : f32 to vector<160x128xf32>
    %max3A_188 = arith.maximumf %max3A_187, %add3A_111 : vector<160x128xf32>
    %min3A_189 = vector.broadcast %sub3A_185 : vector<1x128xf32> to vector<160x128xf32>
    %min3A_190 = arith.minimumf %min3A_189, %max3A_188 : vector<160x128xf32>
    %sub3A_191 = arith.constant 1.000000e+00 : f32
    %sub3A_192 = vector.broadcast %sub3A_191 : f32 to vector<1x128xf32>
    %sub3A_193 = arith.subf %get3A_41, %sub3A_192 : vector<1x128xf32>
    %jit3A_194 = arith.constant 0.000000e+00 : f32
    %max3A_195 = vector.broadcast %jit3A_194 : f32 to vector<160x128xf32>
    %max3A_196 = arith.maximumf %max3A_195, %floor3A_99 : vector<160x128xf32>
    %min3A_197 = vector.broadcast %sub3A_193 : vector<1x128xf32> to vector<160x128xf32>
    %min3A_198 = arith.minimumf %min3A_197, %max3A_196 : vector<160x128xf32>
    %mul3A_199 = vector.broadcast %get3A_38 : vector<1x128xf32> to vector<160x128xf32>
    %mul3A_200 = arith.mulf %min3A_198, %mul3A_199 : vector<160x128xf32>
    %add3A_201 = arith.addf %mul3A_200, %min3A_190 : vector<160x128xf32>
    %add3A_202 = vector.broadcast %get3A_44 : vector<1x128xf32> to vector<160x128xf32>
    %add3A_203 = arith.addf %add3A_201, %add3A_202 : vector<160x128xf32>
    %transpose3A_204 = tpu.transpose %add3A_203, [1, 0] : vector<160x128xf32> -> vector<128x160xf32>
    %mul3A_205 = arith.mulf %mul3A_112, %convert_element_type3A_182 : vector<160x128xf32>
    %mul3A_206 = arith.mulf %mul3A_205, %div3A : vector<160x128xf32>
    %transpose3A_207 = tpu.transpose %mul3A_206, [1, 0] : vector<160x128xf32> -> vector<128x160xf32>
    %ge3A_208 = arith.constant 0.000000e+00 : f32
    %ge3A_209 = vector.broadcast %ge3A_208 : f32 to vector<160x128xf32>
    %ge3A_210 = arith.cmpf oge, %floor3A, %ge3A_209 : vector<160x128xf32>
    %sub3A_211 = arith.constant 1.000000e+00 : f32
    %sub3A_212 = vector.broadcast %sub3A_211 : f32 to vector<1x128xf32>
    %sub3A_213 = arith.subf %get3A_38, %sub3A_212 : vector<1x128xf32>
    %le3A_214 = vector.broadcast %sub3A_213 : vector<1x128xf32> to vector<160x128xf32>
    %le3A_215 = arith.cmpf ole, %floor3A, %le3A_214 : vector<160x128xf32>
    %and3A_216 = arith.andi %ge3A_210, %le3A_215 : vector<160x128xi1>
    %ge3A_217 = arith.constant 0.000000e+00 : f32
    %ge3A_218 = vector.broadcast %ge3A_217 : f32 to vector<160x128xf32>
    %ge3A_219 = arith.cmpf oge, %add3A_115, %ge3A_218 : vector<160x128xf32>
    %and3A_220 = arith.andi %and3A_216, %ge3A_219 : vector<160x128xi1>
    %sub3A_221 = arith.constant 1.000000e+00 : f32
    %sub3A_222 = vector.broadcast %sub3A_221 : f32 to vector<1x128xf32>
    %sub3A_223 = arith.subf %get3A_41, %sub3A_222 : vector<1x128xf32>
    %le3A_224 = vector.broadcast %sub3A_223 : vector<1x128xf32> to vector<160x128xf32>
    %le3A_225 = arith.cmpf ole, %add3A_115, %le3A_224 : vector<160x128xf32>
    %and3A_226 = arith.andi %and3A_220, %le3A_225 : vector<160x128xi1>
    %convert_element_type3A_227 = arith.extui %and3A_226 : vector<160x128xi1> to vector<160x128xi32>
    %convert_element_type3A_228 = arith.sitofp %convert_element_type3A_227 : vector<160x128xi32> to vector<160x128xf32>
    %sub3A_229 = arith.constant 1.000000e+00 : f32
    %sub3A_230 = vector.broadcast %sub3A_229 : f32 to vector<1x128xf32>
    %sub3A_231 = arith.subf %get3A_38, %sub3A_230 : vector<1x128xf32>
    %jit3A_232 = arith.constant 0.000000e+00 : f32
    %max3A_233 = vector.broadcast %jit3A_232 : f32 to vector<160x128xf32>
    %max3A_234 = arith.maximumf %max3A_233, %floor3A : vector<160x128xf32>
    %min3A_235 = vector.broadcast %sub3A_231 : vector<1x128xf32> to vector<160x128xf32>
    %min3A_236 = arith.minimumf %min3A_235, %max3A_234 : vector<160x128xf32>
    %sub3A_237 = arith.constant 1.000000e+00 : f32
    %sub3A_238 = vector.broadcast %sub3A_237 : f32 to vector<1x128xf32>
    %sub3A_239 = arith.subf %get3A_41, %sub3A_238 : vector<1x128xf32>
    %jit3A_240 = arith.constant 0.000000e+00 : f32
    %max3A_241 = vector.broadcast %jit3A_240 : f32 to vector<160x128xf32>
    %max3A_242 = arith.maximumf %max3A_241, %add3A_115 : vector<160x128xf32>
    %min3A_243 = vector.broadcast %sub3A_239 : vector<1x128xf32> to vector<160x128xf32>
    %min3A_244 = arith.minimumf %min3A_243, %max3A_242 : vector<160x128xf32>
    %mul3A_245 = vector.broadcast %get3A_38 : vector<1x128xf32> to vector<160x128xf32>
    %mul3A_246 = arith.mulf %min3A_244, %mul3A_245 : vector<160x128xf32>
    %add3A_247 = arith.addf %mul3A_246, %min3A_236 : vector<160x128xf32>
    %add3A_248 = vector.broadcast %get3A_44 : vector<1x128xf32> to vector<160x128xf32>
    %add3A_249 = arith.addf %add3A_247, %add3A_248 : vector<160x128xf32>
    %transpose3A_250 = tpu.transpose %add3A_249, [1, 0] : vector<160x128xf32> -> vector<128x160xf32>
    %mul3A_251 = arith.mulf %mul3A_116, %convert_element_type3A_228 : vector<160x128xf32>
    %mul3A_252 = arith.mulf %mul3A_251, %div3A : vector<160x128xf32>
    %transpose3A_253 = tpu.transpose %mul3A_252, [1, 0] : vector<160x128xf32> -> vector<128x160xf32>
    %ge3A_254 = arith.constant 0.000000e+00 : f32
    %ge3A_255 = vector.broadcast %ge3A_254 : f32 to vector<160x128xf32>
    %ge3A_256 = arith.cmpf oge, %add3A_119, %ge3A_255 : vector<160x128xf32>
    %sub3A_257 = arith.constant 1.000000e+00 : f32
    %sub3A_258 = vector.broadcast %sub3A_257 : f32 to vector<1x128xf32>
    %sub3A_259 = arith.subf %get3A_38, %sub3A_258 : vector<1x128xf32>
    %le3A_260 = vector.broadcast %sub3A_259 : vector<1x128xf32> to vector<160x128xf32>
    %le3A_261 = arith.cmpf ole, %add3A_119, %le3A_260 : vector<160x128xf32>
    %and3A_262 = arith.andi %ge3A_256, %le3A_261 : vector<160x128xi1>
    %ge3A_263 = arith.constant 0.000000e+00 : f32
    %ge3A_264 = vector.broadcast %ge3A_263 : f32 to vector<160x128xf32>
    %ge3A_265 = arith.cmpf oge, %add3A_122, %ge3A_264 : vector<160x128xf32>
    %and3A_266 = arith.andi %and3A_262, %ge3A_265 : vector<160x128xi1>
    %sub3A_267 = arith.constant 1.000000e+00 : f32
    %sub3A_268 = vector.broadcast %sub3A_267 : f32 to vector<1x128xf32>
    %sub3A_269 = arith.subf %get3A_41, %sub3A_268 : vector<1x128xf32>
    %le3A_270 = vector.broadcast %sub3A_269 : vector<1x128xf32> to vector<160x128xf32>
    %le3A_271 = arith.cmpf ole, %add3A_122, %le3A_270 : vector<160x128xf32>
    %and3A_272 = arith.andi %and3A_266, %le3A_271 : vector<160x128xi1>
    %convert_element_type3A_273 = arith.extui %and3A_272 : vector<160x128xi1> to vector<160x128xi32>
    %convert_element_type3A_274 = arith.sitofp %convert_element_type3A_273 : vector<160x128xi32> to vector<160x128xf32>
    %sub3A_275 = arith.constant 1.000000e+00 : f32
    %sub3A_276 = vector.broadcast %sub3A_275 : f32 to vector<1x128xf32>
    %sub3A_277 = arith.subf %get3A_38, %sub3A_276 : vector<1x128xf32>
    %jit3A_278 = arith.constant 0.000000e+00 : f32
    %max3A_279 = vector.broadcast %jit3A_278 : f32 to vector<160x128xf32>
    %max3A_280 = arith.maximumf %max3A_279, %add3A_119 : vector<160x128xf32>
    %min3A_281 = vector.broadcast %sub3A_277 : vector<1x128xf32> to vector<160x128xf32>
    %min3A_282 = arith.minimumf %min3A_281, %max3A_280 : vector<160x128xf32>
    %sub3A_283 = arith.constant 1.000000e+00 : f32
    %sub3A_284 = vector.broadcast %sub3A_283 : f32 to vector<1x128xf32>
    %sub3A_285 = arith.subf %get3A_41, %sub3A_284 : vector<1x128xf32>
    %jit3A_286 = arith.constant 0.000000e+00 : f32
    %max3A_287 = vector.broadcast %jit3A_286 : f32 to vector<160x128xf32>
    %max3A_288 = arith.maximumf %max3A_287, %add3A_122 : vector<160x128xf32>
    %min3A_289 = vector.broadcast %sub3A_285 : vector<1x128xf32> to vector<160x128xf32>
    %min3A_290 = arith.minimumf %min3A_289, %max3A_288 : vector<160x128xf32>
    %mul3A_291 = vector.broadcast %get3A_38 : vector<1x128xf32> to vector<160x128xf32>
    %mul3A_292 = arith.mulf %min3A_290, %mul3A_291 : vector<160x128xf32>
    %add3A_293 = arith.addf %mul3A_292, %min3A_282 : vector<160x128xf32>
    %add3A_294 = vector.broadcast %get3A_44 : vector<1x128xf32> to vector<160x128xf32>
    %add3A_295 = arith.addf %add3A_293, %add3A_294 : vector<160x128xf32>
    %transpose3A_296 = tpu.transpose %add3A_295, [1, 0] : vector<160x128xf32> -> vector<128x160xf32>
    %mul3A_297 = arith.mulf %mul3A_123, %convert_element_type3A_274 : vector<160x128xf32>
    %mul3A_298 = arith.mulf %mul3A_297, %div3A : vector<160x128xf32>
    %transpose3A_299 = tpu.transpose %mul3A_298, [1, 0] : vector<160x128xf32> -> vector<128x160xf32>
    %slice3A = vector.extract_strided_slice %transpose3A {offsets = [0, 0], sizes = [16, 160], strides = [1, 1]} : vector<128x160xf32> to vector<16x160xf32>
    %slice3A_300 = vector.extract_strided_slice %transpose3A_204 {offsets = [0, 0], sizes = [16, 160], strides = [1, 1]} : vector<128x160xf32> to vector<16x160xf32>
    %slice3A_301 = vector.extract_strided_slice %transpose3A_250 {offsets = [0, 0], sizes = [16, 160], strides = [1, 1]} : vector<128x160xf32> to vector<16x160xf32>
    %slice3A_302 = vector.extract_strided_slice %transpose3A_296 {offsets = [0, 0], sizes = [16, 160], strides = [1, 1]} : vector<128x160xf32> to vector<16x160xf32>
    %slice3A_303 = vector.extract_strided_slice %transpose3A {offsets = [16, 0], sizes = [16, 160], strides = [1, 1]} : vector<128x160xf32> to vector<16x160xf32>
    %slice3A_304 = vector.extract_strided_slice %transpose3A_204 {offsets = [16, 0], sizes = [16, 160], strides = [1, 1]} : vector<128x160xf32> to vector<16x160xf32>
    %slice3A_305 = vector.extract_strided_slice %transpose3A_250 {offsets = [16, 0], sizes = [16, 160], strides = [1, 1]} : vector<128x160xf32> to vector<16x160xf32>
    %slice3A_306 = vector.extract_strided_slice %transpose3A_296 {offsets = [16, 0], sizes = [16, 160], strides = [1, 1]} : vector<128x160xf32> to vector<16x160xf32>
    %slice3A_307 = vector.extract_strided_slice %transpose3A {offsets = [32, 0], sizes = [16, 160], strides = [1, 1]} : vector<128x160xf32> to vector<16x160xf32>
    %slice3A_308 = vector.extract_strided_slice %transpose3A_204 {offsets = [32, 0], sizes = [16, 160], strides = [1, 1]} : vector<128x160xf32> to vector<16x160xf32>
    %slice3A_309 = vector.extract_strided_slice %transpose3A_250 {offsets = [32, 0], sizes = [16, 160], strides = [1, 1]} : vector<128x160xf32> to vector<16x160xf32>
    %slice3A_310 = vector.extract_strided_slice %transpose3A_296 {offsets = [32, 0], sizes = [16, 160], strides = [1, 1]} : vector<128x160xf32> to vector<16x160xf32>
    %slice3A_311 = vector.extract_strided_slice %transpose3A {offsets = [48, 0], sizes = [16, 160], strides = [1, 1]} : vector<128x160xf32> to vector<16x160xf32>
    %slice3A_312 = vector.extract_strided_slice %transpose3A_204 {offsets = [48, 0], sizes = [16, 160], strides = [1, 1]} : vector<128x160xf32> to vector<16x160xf32>
    %slice3A_313 = vector.extract_strided_slice %transpose3A_250 {offsets = [48, 0], sizes = [16, 160], strides = [1, 1]} : vector<128x160xf32> to vector<16x160xf32>
    %slice3A_314 = vector.extract_strided_slice %transpose3A_296 {offsets = [48, 0], sizes = [16, 160], strides = [1, 1]} : vector<128x160xf32> to vector<16x160xf32>
    %slice3A_315 = vector.extract_strided_slice %transpose3A {offsets = [64, 0], sizes = [16, 160], strides = [1, 1]} : vector<128x160xf32> to vector<16x160xf32>
    %slice3A_316 = vector.extract_strided_slice %transpose3A_204 {offsets = [64, 0], sizes = [16, 160], strides = [1, 1]} : vector<128x160xf32> to vector<16x160xf32>
    %slice3A_317 = vector.extract_strided_slice %transpose3A_250 {offsets = [64, 0], sizes = [16, 160], strides = [1, 1]} : vector<128x160xf32> to vector<16x160xf32>
    %slice3A_318 = vector.extract_strided_slice %transpose3A_296 {offsets = [64, 0], sizes = [16, 160], strides = [1, 1]} : vector<128x160xf32> to vector<16x160xf32>
    %slice3A_319 = vector.extract_strided_slice %transpose3A {offsets = [80, 0], sizes = [16, 160], strides = [1, 1]} : vector<128x160xf32> to vector<16x160xf32>
    %slice3A_320 = vector.extract_strided_slice %transpose3A_204 {offsets = [80, 0], sizes = [16, 160], strides = [1, 1]} : vector<128x160xf32> to vector<16x160xf32>
    %slice3A_321 = vector.extract_strided_slice %transpose3A_250 {offsets = [80, 0], sizes = [16, 160], strides = [1, 1]} : vector<128x160xf32> to vector<16x160xf32>
    %slice3A_322 = vector.extract_strided_slice %transpose3A_296 {offsets = [80, 0], sizes = [16, 160], strides = [1, 1]} : vector<128x160xf32> to vector<16x160xf32>
    %slice3A_323 = vector.extract_strided_slice %transpose3A {offsets = [96, 0], sizes = [16, 160], strides = [1, 1]} : vector<128x160xf32> to vector<16x160xf32>
    %slice3A_324 = vector.extract_strided_slice %transpose3A_204 {offsets = [96, 0], sizes = [16, 160], strides = [1, 1]} : vector<128x160xf32> to vector<16x160xf32>
    %slice3A_325 = vector.extract_strided_slice %transpose3A_250 {offsets = [96, 0], sizes = [16, 160], strides = [1, 1]} : vector<128x160xf32> to vector<16x160xf32>
    %slice3A_326 = vector.extract_strided_slice %transpose3A_296 {offsets = [96, 0], sizes = [16, 160], strides = [1, 1]} : vector<128x160xf32> to vector<16x160xf32>
    %slice3A_327 = vector.extract_strided_slice %transpose3A {offsets = [112, 0], sizes = [16, 160], strides = [1, 1]} : vector<128x160xf32> to vector<16x160xf32>
    %slice3A_328 = vector.extract_strided_slice %transpose3A_204 {offsets = [112, 0], sizes = [16, 160], strides = [1, 1]} : vector<128x160xf32> to vector<16x160xf32>
    %slice3A_329 = vector.extract_strided_slice %transpose3A_250 {offsets = [112, 0], sizes = [16, 160], strides = [1, 1]} : vector<128x160xf32> to vector<16x160xf32>
    %slice3A_330 = vector.extract_strided_slice %transpose3A_296 {offsets = [112, 0], sizes = [16, 160], strides = [1, 1]} : vector<128x160xf32> to vector<16x160xf32>
    %concatenate3A = tpu.concatenate %slice3A, %slice3A_300, %slice3A_301, %slice3A_302, %slice3A_303, %slice3A_304, %slice3A_305, %slice3A_306, %slice3A_307, %slice3A_308, %slice3A_309, %slice3A_310, %slice3A_311, %slice3A_312, %slice3A_313, %slice3A_314, %slice3A_315, %slice3A_316, %slice3A_317, %slice3A_318, %slice3A_319, %slice3A_320, %slice3A_321, %slice3A_322, %slice3A_323, %slice3A_324, %slice3A_325, %slice3A_326, %slice3A_327, %slice3A_328, %slice3A_329, %slice3A_330 in 0 : vector<16x160xf32>, vector<16x160xf32>, vector<16x160xf32>, vector<16x160xf32>, vector<16x160xf32>, vector<16x160xf32>, vector<16x160xf32>, vector<16x160xf32>, vector<16x160xf32>, vector<16x160xf32>, vector<16x160xf32>, vector<16x160xf32>, vector<16x160xf32>, vector<16x160xf32>, vector<16x160xf32>, vector<16x160xf32>, vector<16x160xf32>, vector<16x160xf32>, vector<16x160xf32>, vector<16x160xf32>, vector<16x160xf32>, vector<16x160xf32>, vector<16x160xf32>, vector<16x160xf32>, vector<16x160xf32>, vector<16x160xf32>, vector<16x160xf32>, vector<16x160xf32>, vector<16x160xf32>, vector<16x160xf32>, vector<16x160xf32>, vector<16x160xf32> -> vector<512x160xf32>
    %slice3A_331 = vector.extract_strided_slice %transpose3A_161 {offsets = [0, 0], sizes = [16, 160], strides = [1, 1]} : vector<128x160xf32> to vector<16x160xf32>
    %slice3A_332 = vector.extract_strided_slice %transpose3A_207 {offsets = [0, 0], sizes = [16, 160], strides = [1, 1]} : vector<128x160xf32> to vector<16x160xf32>
    %slice3A_333 = vector.extract_strided_slice %transpose3A_253 {offsets = [0, 0], sizes = [16, 160], strides = [1, 1]} : vector<128x160xf32> to vector<16x160xf32>
    %slice3A_334 = vector.extract_strided_slice %transpose3A_299 {offsets = [0, 0], sizes = [16, 160], strides = [1, 1]} : vector<128x160xf32> to vector<16x160xf32>
    %slice3A_335 = vector.extract_strided_slice %transpose3A_161 {offsets = [16, 0], sizes = [16, 160], strides = [1, 1]} : vector<128x160xf32> to vector<16x160xf32>
    %slice3A_336 = vector.extract_strided_slice %transpose3A_207 {offsets = [16, 0], sizes = [16, 160], strides = [1, 1]} : vector<128x160xf32> to vector<16x160xf32>
    %slice3A_337 = vector.extract_strided_slice %transpose3A_253 {offsets = [16, 0], sizes = [16, 160], strides = [1, 1]} : vector<128x160xf32> to vector<16x160xf32>
    %slice3A_338 = vector.extract_strided_slice %transpose3A_299 {offsets = [16, 0], sizes = [16, 160], strides = [1, 1]} : vector<128x160xf32> to vector<16x160xf32>
    %slice3A_339 = vector.extract_strided_slice %transpose3A_161 {offsets = [32, 0], sizes = [16, 160], strides = [1, 1]} : vector<128x160xf32> to vector<16x160xf32>
    %slice3A_340 = vector.extract_strided_slice %transpose3A_207 {offsets = [32, 0], sizes = [16, 160], strides = [1, 1]} : vector<128x160xf32> to vector<16x160xf32>
    %slice3A_341 = vector.extract_strided_slice %transpose3A_253 {offsets = [32, 0], sizes = [16, 160], strides = [1, 1]} : vector<128x160xf32> to vector<16x160xf32>
    %slice3A_342 = vector.extract_strided_slice %transpose3A_299 {offsets = [32, 0], sizes = [16, 160], strides = [1, 1]} : vector<128x160xf32> to vector<16x160xf32>
    %slice3A_343 = vector.extract_strided_slice %transpose3A_161 {offsets = [48, 0], sizes = [16, 160], strides = [1, 1]} : vector<128x160xf32> to vector<16x160xf32>
    %slice3A_344 = vector.extract_strided_slice %transpose3A_207 {offsets = [48, 0], sizes = [16, 160], strides = [1, 1]} : vector<128x160xf32> to vector<16x160xf32>
    %slice3A_345 = vector.extract_strided_slice %transpose3A_253 {offsets = [48, 0], sizes = [16, 160], strides = [1, 1]} : vector<128x160xf32> to vector<16x160xf32>
    %slice3A_346 = vector.extract_strided_slice %transpose3A_299 {offsets = [48, 0], sizes = [16, 160], strides = [1, 1]} : vector<128x160xf32> to vector<16x160xf32>
    %slice3A_347 = vector.extract_strided_slice %transpose3A_161 {offsets = [64, 0], sizes = [16, 160], strides = [1, 1]} : vector<128x160xf32> to vector<16x160xf32>
    %slice3A_348 = vector.extract_strided_slice %transpose3A_207 {offsets = [64, 0], sizes = [16, 160], strides = [1, 1]} : vector<128x160xf32> to vector<16x160xf32>
    %slice3A_349 = vector.extract_strided_slice %transpose3A_253 {offsets = [64, 0], sizes = [16, 160], strides = [1, 1]} : vector<128x160xf32> to vector<16x160xf32>
    %slice3A_350 = vector.extract_strided_slice %transpose3A_299 {offsets = [64, 0], sizes = [16, 160], strides = [1, 1]} : vector<128x160xf32> to vector<16x160xf32>
    %slice3A_351 = vector.extract_strided_slice %transpose3A_161 {offsets = [80, 0], sizes = [16, 160], strides = [1, 1]} : vector<128x160xf32> to vector<16x160xf32>
    %slice3A_352 = vector.extract_strided_slice %transpose3A_207 {offsets = [80, 0], sizes = [16, 160], strides = [1, 1]} : vector<128x160xf32> to vector<16x160xf32>
    %slice3A_353 = vector.extract_strided_slice %transpose3A_253 {offsets = [80, 0], sizes = [16, 160], strides = [1, 1]} : vector<128x160xf32> to vector<16x160xf32>
    %slice3A_354 = vector.extract_strided_slice %transpose3A_299 {offsets = [80, 0], sizes = [16, 160], strides = [1, 1]} : vector<128x160xf32> to vector<16x160xf32>
    %slice3A_355 = vector.extract_strided_slice %transpose3A_161 {offsets = [96, 0], sizes = [16, 160], strides = [1, 1]} : vector<128x160xf32> to vector<16x160xf32>
    %slice3A_356 = vector.extract_strided_slice %transpose3A_207 {offsets = [96, 0], sizes = [16, 160], strides = [1, 1]} : vector<128x160xf32> to vector<16x160xf32>
    %slice3A_357 = vector.extract_strided_slice %transpose3A_253 {offsets = [96, 0], sizes = [16, 160], strides = [1, 1]} : vector<128x160xf32> to vector<16x160xf32>
    %slice3A_358 = vector.extract_strided_slice %transpose3A_299 {offsets = [96, 0], sizes = [16, 160], strides = [1, 1]} : vector<128x160xf32> to vector<16x160xf32>
    %slice3A_359 = vector.extract_strided_slice %transpose3A_161 {offsets = [112, 0], sizes = [16, 160], strides = [1, 1]} : vector<128x160xf32> to vector<16x160xf32>
    %slice3A_360 = vector.extract_strided_slice %transpose3A_207 {offsets = [112, 0], sizes = [16, 160], strides = [1, 1]} : vector<128x160xf32> to vector<16x160xf32>
    %slice3A_361 = vector.extract_strided_slice %transpose3A_253 {offsets = [112, 0], sizes = [16, 160], strides = [1, 1]} : vector<128x160xf32> to vector<16x160xf32>
    %slice3A_362 = vector.extract_strided_slice %transpose3A_299 {offsets = [112, 0], sizes = [16, 160], strides = [1, 1]} : vector<128x160xf32> to vector<16x160xf32>
    %concatenate3A_363 = tpu.concatenate %slice3A_331, %slice3A_332, %slice3A_333, %slice3A_334, %slice3A_335, %slice3A_336, %slice3A_337, %slice3A_338, %slice3A_339, %slice3A_340, %slice3A_341, %slice3A_342, %slice3A_343, %slice3A_344, %slice3A_345, %slice3A_346, %slice3A_347, %slice3A_348, %slice3A_349, %slice3A_350, %slice3A_351, %slice3A_352, %slice3A_353, %slice3A_354, %slice3A_355, %slice3A_356, %slice3A_357, %slice3A_358, %slice3A_359, %slice3A_360, %slice3A_361, %slice3A_362 in 0 : vector<16x160xf32>, vector<16x160xf32>, vector<16x160xf32>, vector<16x160xf32>, vector<16x160xf32>, vector<16x160xf32>, vector<16x160xf32>, vector<16x160xf32>, vector<16x160xf32>, vector<16x160xf32>, vector<16x160xf32>, vector<16x160xf32>, vector<16x160xf32>, vector<16x160xf32>, vector<16x160xf32>, vector<16x160xf32>, vector<16x160xf32>, vector<16x160xf32>, vector<16x160xf32>, vector<16x160xf32>, vector<16x160xf32>, vector<16x160xf32>, vector<16x160xf32>, vector<16x160xf32>, vector<16x160xf32>, vector<16x160xf32>, vector<16x160xf32>, vector<16x160xf32>, vector<16x160xf32>, vector<16x160xf32>, vector<16x160xf32>, vector<16x160xf32> -> vector<512x160xf32>
    %swap3A = arith.constant 0 : index
    %swap3A_364 = arith.constant 0 : index
    %swap3A_365 = arith.constant 0 : index
    %swap3A_366 = arith.constant 0 : index
    %swap3A_367 = vector.load %arg13[%swap3A, %swap3A_364, %swap3A_365, %swap3A_366] : memref<1x1x512x160xf32, #tpu.memory_space<vmem>>, vector<1x1x512x160xf32>
    %swap3A_368 = vector.shape_cast %swap3A_367 : vector<1x1x512x160xf32> to vector<512x160xf32>
    %swap3A_369 = vector.shape_cast %concatenate3A : vector<512x160xf32> to vector<1x1x512x160xf32>
    tpu.vector_store %arg13[%swap3A, %swap3A_364, %swap3A_365, %swap3A_366], %swap3A_369 {strides = array<i32>} : memref<1x1x512x160xf32, #tpu.memory_space<vmem>>, vector<1x1x512x160xf32>,
    %swap3A_370 = arith.constant 0 : index
    %swap3A_371 = arith.constant 0 : index
    %swap3A_372 = arith.constant 0 : index
    %swap3A_373 = arith.constant 0 : index
    %swap3A_374 = vector.load %arg14[%swap3A_370, %swap3A_371, %swap3A_372, %swap3A_373] : memref<1x1x512x160xf32, #tpu.memory_space<vmem>>, vector<1x1x512x160xf32>
    %swap3A_375 = vector.shape_cast %swap3A_374 : vector<1x1x512x160xf32> to vector<512x160xf32>
    %swap3A_376 = vector.shape_cast %concatenate3A_363 : vector<512x160xf32> to vector<1x1x512x160xf32>
    tpu.vector_store %arg14[%swap3A_370, %swap3A_371, %swap3A_372, %swap3A_373], %swap3A_376 {strides = array<i32>} : memref<1x1x512x160xf32, #tpu.memory_space<vmem>>, vector<1x1x512x160xf32>,
    return
  }
  func.func @transform_0(%arg0: i32, %arg1: i32) -> (i32, i32, i32) {
    %c0_i32 = arith.constant 0 : i32
    %c0_i32_0 = arith.constant 0 : i32
    return %arg0, %arg1, %c0_i32 : i32, i32, i32
  }
  func.func @transform_1(%arg0: i32, %arg1: i32) -> (i32, i32, i32) {
    %c0_i32 = arith.constant 0 : i32
    %c0_i32_0 = arith.constant 0 : i32
    return %arg0, %arg1, %c0_i32 : i32, i32, i32
  }
  func.func @transform_2(%arg0: i32, %arg1: i32) -> (i32, i32, i32) {
    %c0_i32 = arith.constant 0 : i32
    %c0_i32_0 = arith.constant 0 : i32
    return %arg0, %arg1, %c0_i32 : i32, i32, i32
  }
  func.func @transform_3(%arg0: i32, %arg1: i32) -> (i32, i32) {
    %c0_i32 = arith.constant 0 : i32
    %c0_i32_0 = arith.constant 0 : i32
    %c0_i32_1 = arith.constant 0 : i32
    return %c0_i32, %c0_i32_0 : i32, i32
  }
  func.func @transform_4(%arg0: i32, %arg1: i32) -> (i32, i32) {
    %c0_i32 = arith.constant 0 : i32
    %c0_i32_0 = arith.constant 0 : i32
    %c0_i32_1 = arith.constant 0 : i32
    return %c0_i32, %c0_i32_0 : i32, i32
  }
  func.func @transform_5(%arg0: i32, %arg1: i32) -> i32 {
    %c0_i32 = arith.constant 0 : i32
    %c0_i32_0 = arith.constant 0 : i32
    return %c0_i32 : i32
  }
  func.func @transform_6(%arg0: i32, %arg1: i32) -> i32 {
    %c0_i32 = arith.constant 0 : i32
    %c0_i32_0 = arith.constant 0 : i32
    return %c0_i32 : i32
  }
  func.func @transform_7(%arg0: i32, %arg1: i32) -> (i32, i32) {
    %c0_i32 = arith.constant 0 : i32
    %c0_i32_0 = arith.constant 0 : i32
    %c0_i32_1 = arith.constant 0 : i32
    return %c0_i32, %c0_i32_0 : i32, i32
  }
  func.func @transform_8(%arg0: i32, %arg1: i32) -> i32 {
    %c0_i32 = arith.constant 0 : i32
    %c0_i32_0 = arith.constant 0 : i32
    return %c0_i32 : i32
  }
  func.func @transform_9(%arg0: i32, %arg1: i32) -> (i32, i32) {
    %c0_i32 = arith.constant 0 : i32
    %c0_i32_0 = arith.constant 0 : i32
    %c0_i32_1 = arith.constant 0 : i32
    return %c0_i32, %c0_i32_0 : i32, i32
  }
  func.func @transform_10(%arg0: i32, %arg1: i32) -> (i32, i32) {
    %c0_i32 = arith.constant 0 : i32
    %c0_i32_0 = arith.constant 0 : i32
    %c0_i32_1 = arith.constant 0 : i32
    return %c0_i32, %c0_i32_0 : i32, i32
  }
  func.func @transform_11(%arg0: i32, %arg1: i32) -> (i32, i32, i32, i32) {
    %c0_i32 = arith.constant 0 : i32
    %c0_i32_0 = arith.constant 0 : i32
    %c0_i32_1 = arith.constant 0 : i32
    return %arg0, %arg1, %c0_i32, %c0_i32_0 : i32, i32, i32, i32
  }
  func.func @transform_12(%arg0: i32, %arg1: i32) -> (i32, i32, i32, i32) {
    %c0_i32 = arith.constant 0 : i32
    %c0_i32_0 = arith.constant 0 : i32
    %c0_i32_1 = arith.constant 0 : i32
    return %arg0, %arg1, %c0_i32, %c0_i32_0 : i32, i32, i32, i32
  }
}

module attributes {stable_mosaic.version = 14 : i64} {
  func.func @_oproj_kernel(%arg0: i32, %arg1: i32, %arg2: memref<1x16x1x16x160xf32, #tpu.memory_space<vmem>>, %arg3: memref<256x256xf32, #tpu.memory_space<vmem>>, %arg4: memref<256xf32, #tpu.memory_space<vmem>>, %arg5: memref<1x160x256xf32, #tpu.memory_space<vmem>>) attributes {dimension_semantics = [#tpu.dimension_semantics<arbitrary>, #tpu.dimension_semantics<arbitrary>], iteration_bounds = array<i64: 2, 34>, scalar_prefetch = 0 : i64, scratch_operands = 0 : i64, tpu.core_type = #tpu.core_type<tc>, window_params = [{transform_indices = @transform_0, window_bounds = array<i64: 1, 16, 1, 16, 160>}, {pipeline_mode = #tpu.pipeline_mode<synchronous>, transform_indices = @transform_1, window_bounds = array<i64: 256, 256>}, {pipeline_mode = #tpu.pipeline_mode<synchronous>, transform_indices = @transform_2, window_bounds = array<i64: 256>}, {transform_indices = @transform_3, window_bounds = array<i64: 1, 160, 256>}]} {
    %get3A = arith.constant 0 : index
    %get3A_0 = arith.constant 0 : index
    %get3A_1 = arith.constant 0 : index
    %get3A_2 = arith.constant 0 : index
    %get3A_3 = arith.constant 0 : index
    %get3A_4 = vector.load %arg2[%get3A, %get3A_0, %get3A_1, %get3A_2, %get3A_3] : memref<1x16x1x16x160xf32, #tpu.memory_space<vmem>>, vector<1x16x1x16x160xf32>
    %get3A_5 = vector.shape_cast %get3A_4 : vector<1x16x1x16x160xf32> to vector<16x16x160xf32>
    %reshape3A = vector.shape_cast %get3A_5 : vector<16x16x160xf32> to vector<256x160xf32>
    %get3A_6 = arith.constant 0 : index
    %get3A_7 = arith.constant 0 : index
    %get3A_8 = vector.load %arg3[%get3A_6, %get3A_7] : memref<256x256xf32, #tpu.memory_space<vmem>>, vector<256x256xf32>
    %dot_general3A = arith.constant dense<0.000000e+00> : vector<160x256xf32>
    %dot_general3A_9 = tpu.matmul %reshape3A, %get3A_8, %dot_general3A {dimension_numbers = #tpu.dot_dimension_numbers<[0], [0], [1], [1], [0, 1, 1, 1], [], []>, transpose_lhs_hint = false} : vector<256x160xf32>, vector<256x256xf32>, vector<160x256xf32> -> vector<160x256xf32>
    %get3A_10 = arith.constant 0 : index
    %get3A_11 = vector.load %arg4[%get3A_10] : memref<256xf32, #tpu.memory_space<vmem>>, vector<256xf32>
    %broadcast_in_dim3A = vector.shape_cast %get3A_11 : vector<256xf32> to vector<1x256xf32>
    %add3A = vector.broadcast %broadcast_in_dim3A : vector<1x256xf32> to vector<160x256xf32>
    %add3A_12 = arith.addf %dot_general3A_9, %add3A : vector<160x256xf32>
    %swap3A = arith.constant 0 : index
    %swap3A_13 = arith.constant 0 : index
    %swap3A_14 = arith.constant 0 : index
    %swap3A_15 = vector.load %arg5[%swap3A, %swap3A_13, %swap3A_14] : memref<1x160x256xf32, #tpu.memory_space<vmem>>, vector<1x160x256xf32>
    %swap3A_16 = vector.shape_cast %swap3A_15 : vector<1x160x256xf32> to vector<160x256xf32>
    %swap3A_17 = vector.shape_cast %add3A_12 : vector<160x256xf32> to vector<1x160x256xf32>
    tpu.vector_store %arg5[%swap3A, %swap3A_13, %swap3A_14], %swap3A_17 {strides = array<i32>} : memref<1x160x256xf32, #tpu.memory_space<vmem>>, vector<1x160x256xf32>,
    return
  }
  func.func @transform_0(%arg0: i32, %arg1: i32) -> (i32, i32, i32, i32, i32) {
    %c0_i32 = arith.constant 0 : i32
    %c0_i32_0 = arith.constant 0 : i32
    %c0_i32_1 = arith.constant 0 : i32
    %c0_i32_2 = arith.constant 0 : i32
    return %arg0, %c0_i32, %arg1, %c0_i32_0, %c0_i32_1 : i32, i32, i32, i32, i32
  }
  func.func @transform_1(%arg0: i32, %arg1: i32) -> (i32, i32) {
    %c0_i32 = arith.constant 0 : i32
    %c0_i32_0 = arith.constant 0 : i32
    %c0_i32_1 = arith.constant 0 : i32
    return %c0_i32, %c0_i32_0 : i32, i32
  }
  func.func @transform_2(%arg0: i32, %arg1: i32) -> i32 {
    %c0_i32 = arith.constant 0 : i32
    %c0_i32_0 = arith.constant 0 : i32
    return %c0_i32 : i32
  }
  func.func @transform_3(%arg0: i32, %arg1: i32) -> (i32, i32, i32) {
    %c0_i32 = arith.constant 0 : i32
    %c0_i32_0 = arith.constant 0 : i32
    return %arg0, %arg1, %c0_i32 : i32, i32, i32
  }
}

</mosaic_0001>

<sc_bundles>
// kernel: kernel.6.cloned.1.call-start
scs
__scs_entry_jumppad:
0x0: {  	(pc) =	sbr.rel $0x88, $3  }
0x1: {  	(tag) =	ssettag $0x0;
	lr =	simm.s32 $0x1  }
0x2: {  	[smem:$0x3F96] =	sst lr;
	_ =	strace $0xD0000000  }
0x3: {  	_ = 	snop  }
0x4: {  	_ = 	snop  }
0x5: {  	_ = 	snop  }
0x6: {  	_ = 	snop  }
0x7: {  	_ = 	snop  }
__scs_overlays_trampoline_lowered:
0x8: {  	[smem:$0x3FA5] =	sst s0  }
0x9: {  	[smem:$0x3FA6] =	sst s1  }
0xa: {  	[smem:$0x3FA7] =	sst s2  }
0xb: {  	[smem:$0x3FA8] =	sst s3  }
0xc: {  	[smem:$0x3FA9] =	sst s4  }
0xd: {  	[smem:$0x3FAA] =	sst s5  }
0xe: {  	[smem:$0x3FAB] =	sst s6  }
0xf: {  	[smem:$0x3FAC] =	sst s7  }
0x10: {  	[smem:$0x3FAD] =	sst s8  }
0x11: {  	[smem:$0x3FAE] =	sst s9;
	s0 =	simm.s32 @!p0 $0x0  }
0x12: {  	s1 =	sld [smem:$0x3F94];
	s0 =	simm.s32 @p0 $0x1  }
0x13: {  	[smem:$0x3FAF] =	sst s0;
	s0 =	simm.s32 @!p1 $0x0  }
0x14: {  	s2 =	sld [smem:$0x3F93];
	s0 =	simm.s32 @p1 $0x1  }
0x15: {  	[smem:$0x3FB0] =	sst s0;
	s0 =	simm.s32 @!p2 $0x0  }
0x16: {  	s3 =	sld [smem:$0x3FDB];
	s0 =	simm.s32 @p2 $0x1  }
0x17: {  	s4 =	simm.s32 $0x1BF5;
	[smem:$0x3FB2] =	sst s0  }
0x18: {  	s0 =	sld [smem:$0x3F95];
	_ =	swait.ge [sflag:s4], $0x0  }
0x19: {  	s7 =	sld [smem:$0x3F96]  }
0x1a: {  	s8 =	sadd.s32 $0xFFFFE003, lr  }
0x1b: {  	s9 =	sadd.s32 $0xFFFFFEF7, lr;
	s5 =	simm.s32 $0xFFFFFFFF;
	p2 =	slt.u32 s8, $0xFFFFF086  }
0x1c: {  	p1 =	slt.u32 s9, $0xF7A;
	s5 =	simm.s32 @!p2 $0x0  }
0x1d: {  	s5 =	simm.s32 @p1 $0x1;
	p0 =	seq.s32 s7, s2  }
0x1e: {  	s7 =	smul.u32 @!p0 $0xF7A, s2;
	p2 =	seq.s32 @!p0 s5, $0x0  }
0x1f: {  	s9 =	smul.u32 $0xF7A, s1;
	s8 =	simm.s32 @!p0 $0x1BF5;
	p2 =	por !p2, p0  }
0x20: {  	[sflag:s8] =	ssyncset.s32 @!p0 $0xFFFFF086;
	s6 =	sadd.s32 @!p0 s3, s7;
	s7 =	simm.s32 @!p0 $0x108  }
0x21: {  	s3 =	sadd.s32 s3, s9;
	s6 =	sadd.s32 @!p0 $0x88, s6;
	s7 =	simm.s32 @p2 $0x1082  }
0x22: {  	[simem:s7], [sflag:s8] =	dma.local @!p0 [hbm:s6], $0xF7A  }
0x23: {  	s9 =	sor.u32 $0xD0000000, s2;
	s6 =	simm.s32 $0x108;
	_ =	swait.ge @!p0 [sflag:s8], $0x0  }
0x24: {  	s3 =	sadd.s32 $0x88, s3;
	s6 =	simm.s32 @!p1 $0x1082;
	[sflag:s4] =	ssyncset.s32 $0xFFFFF086  }
0x25: {  	[simem:s6], [sflag:s4] =	dma.local [hbm:s3], $0xF7A  }
0x26: {  	[smem:$0x3F96] =	sst s1;
	(tag) =	ssettag s2;
	_ =	strace s9  }
0x27: {  	s1 =	sld [smem:$0x3FA6]  }
0x28: {  	s2 =	sld [smem:$0x3FA7]  }
0x29: {  	s4 =	sld [smem:$0x3FA9]  }
0x2a: {  	p0 =	seq.s32 s5, $0x0;
	s5 =	sld [smem:$0x3FAA]  }
0x2b: {  	s6 =	sld [smem:$0x3FAB]  }
0x2c: {  	s7 =	sld [smem:$0x3FAC]  }
0x2d: {  	s3 =	simm.s32 $0x108;
	s8 =	sld [smem:$0x3FAD]  }
0x2e: {  	s3 =	simm.s32 @!p0 $0x1082;
	s9 =	sld [smem:$0x3FAE]  }
0x2f: {  	lr =	sadd.s32 s0, s3;
	s0 =	sld [smem:$0x3FA5]  }
0x30: {  	s3 =	sld [smem:$0x3FA8]  }
0x31: {  	[smem:$0x3FB1] =	sst s10  }
0x32: {  	s10 =	sld [smem:$0x3FAF];
	_ =	sdelay $0x3  }
0x33: {  	p0 =	seq.s32 s10, $0x1;
	s10 =	sld [smem:$0x3FB1];
	_ =	sdelay $0x3  }
0x34: {  	[smem:$0x3FB1] =	sst s10  }
0x35: {  	s10 =	sld [smem:$0x3FB0];
	_ =	sdelay $0x3  }
0x36: {  	p1 =	seq.s32 s10, $0x1;
	s10 =	sld [smem:$0x3FB1];
	_ =	sdelay $0x3  }
0x37: {  	[smem:$0x3FB1] =	sst s10  }
0x38: {  	s10 =	sld [smem:$0x3FB2]  }
0x39: {  	_ = 	snop;
	(pc) =	sbr.ind lr, $3  }
0x3a: {  	_ = 	snop  }
0x3b: {  	_ = 	snop  }
0x3c: {  	p2 =	seq.s32 s10, $0x1;
	s10 =	sld [smem:$0x3FB1]  }
0x3d: {  	_ =	shalt  }
0x3e: {  	_ =	shalt  }
0x3f: {  	_ =	shalt  }
0x40: {  	_ =	shalt  }
0x41: {  	_ =	shalt  }
0x42: {  	_ =	shalt  }
0x43: {  	_ =	shalt  }
0x44: {  	_ =	shalt  }
0x45: {  	_ =	shalt  }
0x46: {  	_ =	shalt  }
0x47: {  	_ =	shalt  }
0x48: {  	_ =	shalt  }
0x49: {  	_ =	shalt  }
0x4a: {  	_ =	shalt  }
0x4b: {  	_ =	shalt  }
0x4c: {  	_ =	shalt  }
0x4d: {  	_ =	shalt  }
0x4e: {  	_ =	shalt  }
0x4f: {  	_ =	shalt  }
0x50: {  	_ =	shalt  }
0x51: {  	_ =	shalt  }
0x52: {  	_ =	shalt  }
0x53: {  	_ =	shalt  }
0x54: {  	_ =	shalt  }
0x55: {  	_ =	shalt  }
0x56: {  	_ =	shalt  }
0x57: {  	_ =	shalt  }
0x58: {  	_ =	shalt  }
0x59: {  	_ =	shalt  }
0x5a: {  	_ =	shalt  }
0x5b: {  	_ =	shalt  }
0x5c: {  	_ =	shalt  }
0x5d: {  	_ =	shalt  }
0x5e: {  	_ =	shalt  }
0x5f: {  	_ =	shalt  }
0x60: {  	_ =	shalt  }
0x61: {  	_ =	shalt  }
0x62: {  	_ =	shalt  }
0x63: {  	_ =	shalt  }
0x64: {  	_ =	shalt  }
0x65: {  	_ =	shalt  }
0x66: {  	_ =	shalt  }
0x67: {  	_ =	shalt  }
0x68: {  	_ =	shalt  }
0x69: {  	_ =	shalt  }
0x6a: {  	_ =	shalt  }
0x6b: {  	_ =	shalt  }
0x6c: {  	_ =	shalt  }
0x6d: {  	_ =	shalt  }
0x6e: {  	_ =	shalt  }
0x6f: {  	_ =	shalt  }
0x70: {  	_ =	shalt  }
0x71: {  	_ =	shalt  }
0x72: {  	_ =	shalt  }
0x73: {  	_ =	shalt  }
0x74: {  	_ =	shalt  }
0x75: {  	_ =	shalt  }
0x76: {  	_ =	shalt  }
0x77: {  	_ =	shalt  }
0x78: {  	_ =	shalt  }
0x79: {  	_ =	shalt  }
0x7a: {  	_ =	shalt  }
0x7b: {  	_ =	shalt  }
0x7c: {  	_ =	shalt  }
0x7d: {  	_ =	shalt  }
0x7e: {  	_ =	shalt  }
0x7f: {  	_ =	shalt  }
0x80: {  	_ =	shalt  }
0x81: {  	_ =	shalt  }
0x82: {  	_ =	shalt  }
0x83: {  	_ =	shalt  }
0x84: {  	_ =	shalt  }
0x85: {  	_ =	shalt  }
0x86: {  	_ =	shalt  }
0x87: {  	_ =	shalt  }
.Lfunc_end0:
.L_simem_size_0:
called_computation_lowered:
.L_overlay_start_0:
0x88: {  	s2 =	sld [smem:$0x3FD9]  }
0x89: {  	s3 =	sld [smem:$0x3FFE];
	_ =	sdelay $0x1  }
0x8a: {  	s1 =	srdreg.scid  }
0x8b: {  	s0 =	sand.u32 $0x1, s1  }
0x8c: {  	s17 =	sshll.u32 s0, $0xA;
	s2 =	sadd.s32 s3, s2  }
0x8d: {  	s2 =	sadd.s32 s2, s17  }
0x8e: {  	[smem:$0x3FBD] =	sst s2  }
0x8f: {  	_ = 	snop  }
0x90: {  	s2 =	sld [smem:$0x3FD0];
	(tm) =	ssettm $0x1  }
0x91: {  	s18 =	sld [smem:$0x3FFB];
	_ =	sdelay $0x3  }
0x92: {  	_ =	strace s18  }
0x93: {  	s3 =	sld [smem:$0x3FFC];
	_ =	sdelay $0x3  }
0x94: {  	_ =	strace s3  }
0x95: {  	s3 =	sld [smem:$0x3FFD];
	_ =	sdelay $0x3  }
0x96: {  	_ =	strace s3  }
0x97: {  	_ =	strace $0x8FFFFFFF  }
0x98: {  	s19 =	sld [smem:$0x3FDB];
	_ =	sdelay $0x1  }
0x99: {  	s4 =	simm.s32 $_scs_section_size  }
0x9a: {  	s5 =	simm.s32 $_size__tile_overlayer_lowered;
	s6 =	simm.s32 $_tile_overlayer_lowered  }
0x9b: {  	s22 =	simm.s32 $0x1BFF;
	s21 =	sshll.u32 s6, $0x1;
	s3 =	sadd.s32 s4, s19  }
0x9c: {  	s7 =	simm.s32 $0x0;
	s20 =	sshll.u32 s5, $0x1;
	s5 =	sadd.s32 s21, s3  }
0x9d: {  	[timem:s7], [sflag:s22] =	dma.local [hbm:s5], s20  }
0x9e: {  	_ =	swait.ge [sflag:s22], s20  }
0x9f: {  	s4 =	ssub.s32 $0x0, s20;
	[sflag:s22] =	ssyncset.done $0x0  }
0xa0: {  	[sflag:s22] =	ssyncadd.s32 s4;
	_ =	sdelay $0x1  }
0xa1: {  	s23 =	simm.s32 $0x1B8B  }
0xa2: {  	_ =	swait.ge [sflag:s23], $0x1  }
0xa3: {  	[sflag:s23] =	ssyncset.done $0x0  }
0xa4: {  	s25 =	simm.s32 $0x1B8E;
	s24 =	sld [smem:$0x3FFE];
	[sflag:s23] =	ssyncadd.s32 $0xFFFFFFFF  }
0xa5: {  	s26 =	simm.s32 $execute0_lowered;
	[smem:$0x3FD2] =	sst s25  }
0xa6: {  	s5 =	sshll.u32 s26, $0x1;
	_ =	strace $0x80000046;
	[dreg:$0x1] =	wrdreg $0xFFFFFFFF  }
0xa7: {  	s28 =	simm.s32 $_size_execute0_lowered;
	s3 =	sadd.s32 s3, s5;
	[dreg:$0x0] =	wrdreg $0x0  }
0xa8: {  	s5 =	sshll.u32 s28, $0x1;
	[dreg:$0x2] =	wrdreg s3  }
0xa9: {  	[dreg:$0x3] =	wrdreg s5  }
0xaa: {  	[dreg:$0x4] =	wrdreg $0xC0  }
0xab: {  	_ =	task [dreg:s7], $0x5FFFF  }
0xac: {  	[dreg:$0x1] =	wrdreg $0xFFFFFFFF  }
0xad: {  	[dreg:$0x0] =	wrdreg $0x60  }
0xae: {  	[dreg:$0x2] =	wrdreg s2  }
0xaf: {  	[dreg:$0x3] =	wrdreg s24  }
0xb0: {  	[dreg:$0x4] =	wrdreg $0x9  }
0xb1: {  	_ =	task.clear_ibuf [dreg:s7], $0x5FFFF;
	_ =	strace $0x90000046  }
0xb2: {  	s29 =	simm.s32 $0x9;
	_ =	strace $0x80000048  }
0xb3: {  	_ =	swait.ge [sflag:s29], $0x1  }
0xb4: {  	[sflag:s29] =	ssyncadd.s32 $0xFFFFFFFF  }
0xb5: {  	_ =	strace $0x90000048  }
0xb6: {  	_ =	sfence  }
0xb7: {  	s30 =	sld [smem:$0x0];
	_ =	sdelay $0x2  }
0xb8: {  	s31 =	sshll.u32 s1, $0xD;
	s1 =	sshrl.u32 s1, $0x2  }
0xb9: {  	s3 =	sand.u32 $0x4000, s31;
	s1 =	sadd.s32 s1, s30  }
0xba: {  	s0 =	sor.u32 s3, s0;
	s1 =	sshll.u32 s1, $0x11  }
0xbb: {  	s0 =	sor.u32 s1, s0  }
0xbc: {  	s0 =	sadd.s32 $0x8F2B, s0  }
0xbd: {  	[sflag:s0] =	ssyncadd.remote.s32 $0x1  }
0xbe: {  	_ =	sfence.sel $0xFFFF  }
0xbf: {  	[dreg:$0x0] =	wrdreg $0xFFFFFFFF;
	(pc) =	sbr.abs _section_cstart, $3  }
0xc0: {  	[dreg:$0x1] =	wrdreg $0xFFFFFFFF  }
0xc1: {  	_ =	task.clear_ibuf [dreg:s7], $0x2FFFF;
	_ =	strace $0x9FFFFFFF  }
0xc2: {  	(tm) =	ssettm $0x7FFFFFFF  }
0xc3: {  	_ =	shalt  }
tec
execute0_lowered:
.L_overlay_start_1:
0x0: {  	(tag) =	ssettag $0x1  }
0x1: {  	s7 =	rddreg [dreg:$0x0];
	s1 =	srdreg.scid  }
0x2: {  	s0 =	stileid.u32;
	s5 =	rddreg [dreg:$0x1];
	s2 =	simm.s32 $0x0  }
0x3: {  	s8 =	simm.s32 $0x1;
	s13 =	simm.s32 $0x1D400;
	s14 =	simm.s32 $0x0  }
0x4: {  	s6 =	sand.u32 $0x1, s1;
	s3 =	sshll.u32 s0, $0x1;
	s1 =	rddreg [dreg:$0x2]  }
0x5: {  	[smem:$0x7FF] =	sst s2;
	s4 =	sadd.s32 $0x113600, s5;
	s9 =	sor.u32 s6, s3  }
0x6: {  	s10 =	sshrl.u32 s0, $0x3;
	p1 =	seq.s32 s6, $0x1;
	p0 =	seq.s32 s9, $0x0  }
0x7: {  	_ =	strace $0x80000047;
	s3 =	sadd.s32 $0x3600, s5;
	p0 =	por !p0, !p1  }
0x8: {  	s6 =	ssub.s32 $0x2, s6;
	s10 =	smul.u32 $0x440000, s10;
	p0 =	por !p0, !p0  }
0x9: {  	s5 =	sadd.s32 $0x223600, s5;
	s11 =	smul.u32 $0x2A80, s9;
	s8 =	simm.s32 @!p0 $0x0  }
0xa: {  	s12 =	sshrl.u32 s6, $0x1;
	s9 =	smul.u32 $0x22, s9;
	s8 =	ssub.s32 s0, s8  }
0xb: {  	s12 =	ssub.s32 s6, s12;
	s6 =	simm.s32 $0x1;
	s8 =	sshll.u32 s8, $0xE  }
0xc: {  	s7 =	sadd.s32 s7, s11;
	s11 =	simm.s32 $0x15400;
	s8 =	sand.u32 $0x1C000, s8  }
0xd: {  	s8 =	sor.u32 s8, s10;
	s10 =	smax.u32 s12, $0x1;
	s12 =	simm.s32 $0x19400  }
.LBB2_1:
0xe: {  	[tilespmem:s2], [sflag:$0x1] =	stream.linear.gather [hbm4b:s7+s2], $0x15400, $0x38;
	[tilespmem:$0x1DE00] =	vst v63  }
0xf: {  	_ =	swait.ge [sflag:s6], $0x15400  }
0x10: {  	[sflag:s6] =	ssyncset.done $0x0  }
0x11: {  	s15 =	simm.s32 $0x0;
	[sflag:s6] =	ssyncadd.s32 $0xFFFEAC00  }
.LBB2_2:
0x12: {  	s16 =	sshll.u32 s15, $0x11  }
0x13: {  	s16 =	sadd.s32 s8, s16  }
0x14: {  	s17 =	sshrl.u32 s16, $0x3  }
0x15: {  	s16 =	simm.s32 $0x0;
	s18 =	sadd.s32 s3, s17  }
0x16: {  	[tilespmem:s11], [sflag:$0x1] =	stream.linear.gather [hbm4b:s18+s16], $0x4000, $0x38;
	[tilespmem:$0x1DE00] =	vst v63  }
0x17: {  	_ =	swait.ge [sflag:s6], $0x4000  }
0x18: {  	[sflag:s6] =	ssyncset.done $0x0  }
0x19: {  	s17 =	sadd.s32 s4, s17;
	[sflag:s6] =	ssyncadd.s32 $0xFFFFC000  }
0x1a: {  	[tilespmem:s12], [sflag:$0x1] =	stream.linear.gather [hbm4b:s17+s16], $0x4000, $0x38;
	[tilespmem:$0x1DE00] =	vst v63  }
0x1b: {  	_ =	swait.ge [sflag:s6], $0x4000  }
0x1c: {  	[sflag:s6] =	ssyncset.done $0x0  }
0x1d: {  	s17 =	simm.s32 $0x0;
	[sflag:s6] =	ssyncadd.s32 $0xFFFFC000  }
.LBB2_3:
0x1e: {  	s18 =	sshll.u32 s17, $0x7  }
0x1f: {  	s19 =	sand.u32 $0x3800, s16;
	s20 =	sand.u32 $0x400, s18  }
0x20: {  	s21 =	sand.u32 $0x380, s16;
	s18 =	sshll.u32 s17, $0x4;
	s22 =	sor.u32 s19, s20  }
0x21: {  	s19 =	sand.u32 $0x70, s18;
	s21 =	sor.u32 s21, s22  }
0x22: {  	s21 =	sor.u32 s19, s21  }
0x23: {  	v0 =	vld [tilespmem:s21+$0x15400];
	_ =	sdelay $0x4  }
0x24: {  	s29 =	simm.s32 $0x100;
	v0 =	vtrunc.f32 v0  }
0x25: {  	s30 =	simm.s32 $0x80;
	s22 =	sand.u32 $0x3800, s29;
	v1 =	vcvt.f32.s32 v0  }
0x26: {  	s22 =	sor.u32 s22, s20;
	v5 =	vld [tilespmem:s21+$0x19400];
	s21 =	sand.u32 $0x380, s30  }
0x27: {  	s21 =	sor.u32 s21, s22;
	v0 =	vadd.s32 $0x13EC0, v1  }
0x28: {  	s22 =	sor.u32 s19, s21;
	v2 =	vadd.s32 $0x1540, v1  }
0x29: {  	v10 =	vld [tilespmem:s22+$0x15400];
	v3 =	vadd.s32 $0x2A80, v1  }
0x2a: {  	v4 =	vadd.s32 $0x3FC0, v1  }
0x2b: {  	v8 =	vadd.s32 $0x5500, v1;
	v6 =	vld.idx.msk [tilespmem:v1+s2+$0x0], $0xffff  }
0x2c: {  	v9 =	vadd.s32 $0x6A40, v1;
	v0 =	vld.idx.msk [tilespmem:v0+s2+$0x0], $0xffff  }
0x2d: {  	v11 =	vadd.s32 $0x7F80, v1;
	v2 =	vld.idx.msk [tilespmem:v2+s2+$0x0], $0xffff  }
0x2e: {  	v7 =	vimm.f32 $0.0e+00;
	v12 =	vadd.s32 $0x94C0, v1;
	v10 =	vtrunc.f32 v10;
	v3 =	vld.idx.msk [tilespmem:v3+s2+$0x0], $0xffff  }
0x2f: {  	v13 =	vadd.s32 $0xAA00, v1;
	v14 =	vadd.s32 $0xBF40, v1;
	v10 =	vcvt.f32.s32 v10;
	v4 =	vld.idx.msk [tilespmem:v4+s2+$0x0], $0xffff  }
0x30: {  	v15 =	vadd.s32 $0xD480, v1;
	v16 =	vadd.s32 $0xE9C0, v1;
	v17 =	vadd.s32 $0xFF00, v1;
	v8 =	vld.idx.msk [tilespmem:v8+s2+$0x0], $0xffff  }
0x31: {  	v18 =	vadd.s32 $0x11440, v1;
	v39 =	vadd.s32 $0x1540, v10;
	v38 =	vadd.s32 $0x2A80, v10;
	v9 =	vld.idx.msk [tilespmem:v9+s2+$0x0], $0xffff  }
0x32: {  	v37 =	vadd.s32 $0x3FC0, v10;
	v32 =	vadd.s32 $0x5500, v10;
	v31 =	vadd.s32 $0x6A40, v10;
	v11 =	vld.idx.msk [tilespmem:v11+s2+$0x0], $0xffff  }
0x33: {  	v27 =	vadd.s32 $0x7F80, v10;
	v26 =	vadd.s32 $0x94C0, v10;
	v24 =	vadd.s32 $0xAA00, v10;
	v12 =	vld.idx.msk [tilespmem:v12+s2+$0x0], $0xffff  }
0x34: {  	v23 =	vadd.s32 $0xBF40, v10;
	v22 =	vadd.s32 $0xD480, v10;
	v21 =	vadd.s32 $0xE9C0, v10;
	v13 =	vld.idx.msk [tilespmem:v13+s2+$0x0], $0xffff  }
0x35: {  	v20 =	vadd.s32 $0xFF00, v10;
	v25 =	vld.idx.msk [tilespmem:v14+s2+$0x0], $0xffff;
	v14 =	vadd.s32 $0x13EC0, v10;
	v6 =	vmul.f32 v6, v5  }
0x36: {  	v33 =	vld.idx.msk [tilespmem:v17+s2+$0x0], $0xffff;
	v17 =	vadd.s32 $0x12980, v10;
	v0 =	vmul.f32 v0, v5;
	v2 =	vmul.f32 v2, v5  }
0x37: {  	v19 =	vmul.f32 v4, v5;
	v4 =	vadd.f32 v6, v7;
	v6 =	vadd.s32 $0x12980, v1  }
0x38: {  	v34 =	vld.idx.msk [tilespmem:v18+s2+$0x0], $0xffff;
	v18 =	vimm.f32 $0.0e+00;
	v3 =	vmul.f32 v3, v5;
	v8 =	vmul.f32 v8, v5  }
0x39: {  	v29 =	vld.idx.msk [tilespmem:v16+s2+$0x0], $0xffff;
	v16 =	vimm.f32 $0.0e+00;
	v43 =	vmul.f32 v9, v5;
	v42 =	vmul.f32 v11, v5  }
0x3a: {  	v28 =	vld.idx.msk [tilespmem:v15+s2+$0x0], $0xffff;
	v15 =	vimm.f32 $0.0e+00;
	v41 =	vmul.f32 v12, v5;
	v40 =	vmul.f32 v13, v5  }
0x3b: {  	v11 =	vimm.f32 $0.0e+00;
	v35 =	vld.idx.msk [tilespmem:v14+s2+$0x0], $0xffff;
	v12 =	vimm.f32 $0.0e+00;
	v13 =	vimm.f32 $0.0e+00  }
0x3c: {  	v14 =	vimm.f32 $0.0e+00;
	v0 =	vadd.f32 v0, v7;
	v2 =	vadd.f32 v2, v7;
	v36 =	vld.idx.msk [tilespmem:v6+s2+$0x0], $0xffff  }
0x3d: {  	s31 =	simm.s32 $0x200;
	v30 =	vld.idx.msk [tilespmem:v10+s2+$0x0], $0xffff;
	v3 =	vadd.f32 v3, v7;
	v1 =	vadd.f32 v19, v7;
	v19 =	vadd.s32 $0x11440, v10  }
0x3e: {  	s24 =	sand.u32 $0x3800, s31;
	s21 =	simm.s32 $0x300;
	v9 =	vld [tilespmem:s22+$0x19400];
	s22 =	simm.s32 $0x100;
	v10 =	vimm.f32 $0.0e+00;
	v6 =	vadd.f32 v8, v7;
	v8 =	vimm.f32 $0.0e+00  }
.LBB2_4:
0x3f: {  	p0 =	sne.s32 s21, $0x3F00;
	s23 =	sand.u32 $0x380, s22;
	s24 =	sor.u32 s24, s20;
	v39 =	vld.idx.msk [tilespmem:v39+s2+$0x0], $0xffff;
	v7 =	vadd.f32 v43, v7;
	v25 =	vmul.f32 v25, v5;
	v28 =	vmul.f32 v28, v5  }
0x40: {  	v18 =	vadd.f32 v42, v18;
	v29 =	vmul.f32 v29, v5;
	v33 =	vmul.f32 v33, v5;
	s23 =	sor.u32 s23, s24;
	v38 =	vld.idx.msk [tilespmem:v38+s2+$0x0], $0xffff  }
0x41: {  	v34 =	vmul.f32 v34, v5;
	v16 =	vadd.f32 v41, v16;
	v36 =	vmul.f32 v36, v5;
	s23 =	sor.u32 s19, s23;
	v37 =	vld.idx.msk [tilespmem:v37+s2+$0x0], $0xffff  }
0x42: {  	v11 =	vadd.f32 v40, v11;
	v15 =	vadd.f32 v25, v15;
	v41 =	vld [tilespmem:s23+$0x15400]  }
0x43: {  	v12 =	vadd.f32 v28, v12;
	v25 =	vmul.f32 v30, v9;
	v30 =	vld.idx.msk [tilespmem:v32+s2+$0x0], $0xffff;
	v32 =	vmul.f32 v35, v9  }
0x44: {  	v13 =	vadd.f32 v29, v13;
	v14 =	vadd.f32 v33, v14;
	v5 =	vmov v9;
	v40 =	vld.idx.msk [tilespmem:v31+s2+$0x0], $0xffff  }
0x45: {  	v10 =	vadd.f32 v34, v10;
	v9 =	vmul.f32 v39, v5;
	v42 =	vld.idx.msk [tilespmem:v27+s2+$0x0], $0xffff;
	v0 =	vadd.f32 v32, v0  }
0x46: {  	v8 =	vadd.f32 v36, v8;
	v4 =	vadd.f32 v25, v4;
	v25 =	vmul.f32 v38, v5;
	v44 =	vld.idx.msk [tilespmem:v26+s2+$0x0], $0xffff  }
0x47: {  	v2 =	vadd.f32 v9, v2;
	v9 =	vmul.f32 v37, v5;
	v26 =	vtrunc.f32 v41;
	v45 =	vld.idx.msk [tilespmem:v24+s2+$0x0], $0xffff  }
0x48: {  	v3 =	vadd.f32 v25, v3;
	v35 =	vcvt.f32.s32 v26;
	v25 =	vld.idx.msk [tilespmem:v23+s2+$0x0], $0xffff  }
0x49: {  	v1 =	vadd.f32 v9, v1;
	v9 =	vmul.f32 v30, v5;
	v28 =	vld.idx.msk [tilespmem:v22+s2+$0x0], $0xffff  }
0x4a: {  	v39 =	vadd.s32 $0x1540, v35;
	v38 =	vadd.s32 $0x2A80, v35;
	v41 =	vadd.s32 $0x13EC0, v35;
	v29 =	vld.idx.msk [tilespmem:v21+s2+$0x0], $0xffff  }
0x4b: {  	v37 =	vadd.s32 $0x3FC0, v35;
	v32 =	vadd.s32 $0x5500, v35;
	v31 =	vadd.s32 $0x6A40, v35;
	v33 =	vld.idx.msk [tilespmem:v20+s2+$0x0], $0xffff  }
.Ltmp0:
0x4c: {  	v27 =	vadd.s32 $0x7F80, v35;
	v26 =	vadd.s32 $0x94C0, v35;
	v24 =	vadd.s32 $0xAA00, v35;
	v34 =	vld.idx.msk [tilespmem:v19+s2+$0x0], $0xffff;
	(pc) =	sbr.rel @p0 .LBB2_4-.Ltmp0, $4  }
0x4d: {  	v23 =	vadd.s32 $0xBF40, v35;
	v22 =	vadd.s32 $0xD480, v35;
	v21 =	vadd.s32 $0xE9C0, v35;
	v36 =	vld.idx.msk [tilespmem:v17+s2+$0x0], $0xffff  }
0x4e: {  	v20 =	vadd.s32 $0xFF00, v35;
	v19 =	vadd.s32 $0x11440, v35;
	v17 =	vadd.s32 $0x12980, v35;
	v30 =	vld.idx.msk [tilespmem:v35+s2+$0x0], $0xffff  }
0x4f: {  	v43 =	vmul.f32 v40, v5;
	v6 =	vadd.f32 v9, v6;
	v42 =	vmul.f32 v42, v5;
	v35 =	vld.idx.msk [tilespmem:v41+s2+$0x0], $0xffff  }
0x50: {  	s22 =	sadd.s32 $0x80, s22;
	s24 =	sand.u32 $0x3800, s21;
	s21 =	sadd.s32 $0x100, s21;
	v40 =	vmul.f32 v45, v5;
	v41 =	vmul.f32 v44, v5;
	v9 =	vld [tilespmem:s23+$0x19400]  }
0x51: {  	_ =	sdelay $0x3  }
0x52: {  	v39 =	vld.idx.msk [tilespmem:v39+s2+$0x0], $0xffff  }
0x53: {  	s21 =	sand.u32 $0x380, s22;
	s20 =	sor.u32 s24, s20;
	v38 =	vld.idx.msk [tilespmem:v38+s2+$0x0], $0xffff  }
0x54: {  	v37 =	vld.idx.msk [tilespmem:v37+s2+$0x0], $0xffff;
	s20 =	sor.u32 s21, s20  }
0x55: {  	v32 =	vld.idx.msk [tilespmem:v32+s2+$0x0], $0xffff;
	s20 =	sor.u32 s19, s20  }
0x56: {  	v44 =	vld [tilespmem:s20+$0x15400]  }
0x57: {  	v31 =	vld.idx.msk [tilespmem:v31+s2+$0x0], $0xffff  }
0x58: {  	v27 =	vld.idx.msk [tilespmem:v27+s2+$0x0], $0xffff  }
0x59: {  	v26 =	vld.idx.msk [tilespmem:v26+s2+$0x0], $0xffff  }
0x5a: {  	v24 =	vld.idx.msk [tilespmem:v24+s2+$0x0], $0xffff  }
0x5b: {  	v23 =	vld.idx.msk [tilespmem:v23+s2+$0x0], $0xffff;
	v44 =	vtrunc.f32 v44  }
0x5c: {  	v22 =	vld.idx.msk [tilespmem:v22+s2+$0x0], $0xffff;
	v44 =	vcvt.f32.s32 v44  }
0x5d: {  	v21 =	vld.idx.msk [tilespmem:v21+s2+$0x0], $0xffff;
	v7 =	vadd.f32 v43, v7  }
0x5e: {  	v20 =	vld.idx.msk [tilespmem:v20+s2+$0x0], $0xffff;
	v25 =	vmul.f32 v25, v5;
	v28 =	vmul.f32 v28, v5;
	v45 =	vadd.s32 $0x13EC0, v44  }
0x5f: {  	v19 =	vld.idx.msk [tilespmem:v19+s2+$0x0], $0xffff;
	v18 =	vadd.f32 v42, v18;
	v29 =	vmul.f32 v29, v5;
	v58 =	vadd.s32 $0x1540, v44  }
0x60: {  	v17 =	vld.idx.msk [tilespmem:v17+s2+$0x0], $0xffff;
	v33 =	vmul.f32 v33, v5;
	v34 =	vmul.f32 v34, v5;
	v46 =	vadd.s32 $0x2A80, v44  }
0x61: {  	v16 =	vadd.f32 v41, v16;
	v61 =	vmul.f32 v36, v5;
	v48 =	vld [tilespmem:s20+$0x19400];
	v59 =	vadd.s32 $0x3FC0, v44  }
0x62: {  	v11 =	vadd.f32 v40, v11;
	v15 =	vadd.f32 v25, v15;
	v60 =	vadd.s32 $0x5500, v44;
	v47 =	vld.idx.msk [tilespmem:v44+s2+$0x0], $0xffff  }
0x63: {  	v12 =	vadd.f32 v28, v12;
	v13 =	vadd.f32 v29, v13;
	v62 =	vadd.s32 $0x6A40, v44;
	v45 =	vld.idx.msk [tilespmem:v45+s2+$0x0], $0xffff  }
0x64: {  	v14 =	vadd.f32 v33, v14;
	v10 =	vadd.f32 v34, v10;
	v63 =	vadd.s32 $0x7F80, v44;
	v49 =	vld.idx.msk [tilespmem:v58+s2+$0x0], $0xffff  }
0x65: {  	v5 =	vadd.f32 v61, v8;
	v30 =	vmul.f32 v30, v9;
	v50 =	vadd.s32 $0x94C0, v44;
	v51 =	vld.idx.msk [tilespmem:v46+s2+$0x0], $0xffff  }
0x66: {  	v35 =	vmul.f32 v35, v9;
	v39 =	vmul.f32 v39, v9;
	v52 =	vadd.s32 $0xAA00, v44;
	v42 =	vld.idx.msk [tilespmem:v59+s2+$0x0], $0xffff  }
0x67: {  	v38 =	vmul.f32 v38, v9;
	v37 =	vmul.f32 v37, v9;
	v53 =	vadd.s32 $0xBF40, v44;
	v41 =	vld.idx.msk [tilespmem:v60+s2+$0x0], $0xffff  }
0x68: {  	v32 =	vmul.f32 v32, v9;
	v31 =	vmul.f32 v31, v9;
	v54 =	vadd.s32 $0xD480, v44;
	v36 =	vld.idx.msk [tilespmem:v62+s2+$0x0], $0xffff  }
0x69: {  	v27 =	vmul.f32 v27, v9;
	v26 =	vmul.f32 v26, v9;
	v55 =	vadd.s32 $0xE9C0, v44;
	v25 =	vld.idx.msk [tilespmem:v63+s2+$0x0], $0xffff  }
0x6a: {  	v24 =	vmul.f32 v24, v9;
	v23 =	vmul.f32 v23, v9;
	v56 =	vadd.s32 $0xFF00, v44;
	v28 =	vld.idx.msk [tilespmem:v50+s2+$0x0], $0xffff  }
0x6b: {  	v22 =	vmul.f32 v22, v9;
	v21 =	vmul.f32 v21, v9;
	v57 =	vadd.s32 $0x11440, v44;
	v33 =	vld.idx.msk [tilespmem:v52+s2+$0x0], $0xffff  }
0x6c: {  	v20 =	vmul.f32 v20, v9;
	v43 =	vmul.f32 v19, v9;
	v58 =	vadd.s32 $0x12980, v44;
	v34 =	vld.idx.msk [tilespmem:v53+s2+$0x0], $0xffff  }
0x6d: {  	v4 =	vadd.f32 v30, v4;
	v2 =	vadd.f32 v39, v2;
	v30 =	vld.idx.msk [tilespmem:v54+s2+$0x0], $0xffff;
	v59 =	vmul.f32 v47, v48  }
0x6e: {  	v3 =	vadd.f32 v38, v3;
	v1 =	vadd.f32 v37, v1;
	v8 =	vld.idx.msk [tilespmem:v55+s2+$0x0], $0xffff;
	v60 =	vmul.f32 v49, v48  }
0x6f: {  	v6 =	vadd.f32 v32, v6;
	v61 =	vld.idx.msk [tilespmem:v56+s2+$0x0], $0xffff;
	v62 =	vmul.f32 v51, v48;
	v4 =	vadd.f32 v59, v4  }
0x70: {  	v7 =	vadd.f32 v31, v7;
	v63 =	vld.idx.msk [tilespmem:v57+s2+$0x0], $0xffff;
	v38 =	vmul.f32 v42, v48;
	v2 =	vadd.f32 v60, v2  }
0x71: {  	v39 =	vld.idx.msk [tilespmem:v58+s2+$0x0], $0xffff;
	v40 =	vmul.f32 v41, v48;
	v3 =	vadd.f32 v62, v3;
	[tilespmem:s18+$0x1D400] =	vst v4  }
0x72: {  	v18 =	vadd.f32 v27, v18;
	v42 =	vmul.f32 v36, v48;
	v1 =	vadd.f32 v38, v1;
	[tilespmem:s18+$0x1D4A0] =	vst v2  }
0x73: {  	s30 =	sand.u32 $0x80, s18;
	v46 =	vmul.f32 v17, v9;
	v44 =	vmul.f32 v25, v48;
	v6 =	vadd.f32 v40, v6;
	[tilespmem:s18+$0x1D540] =	vst v3  }
0x74: {  	s31 =	sor.u32 s19, s30;
	v41 =	vadd.f32 v26, v16;
	v47 =	vmul.f32 v28, v48;
	v7 =	vadd.f32 v42, v7;
	[tilespmem:s18+$0x1D5E0] =	vst v1  }
0x75: {  	v49 =	vadd.f32 v24, v11;
	v50 =	vmul.f32 v33, v48;
	v51 =	vadd.f32 v44, v18;
	[tilespmem:s31+$0x1D680] =	vst v6  }
0x76: {  	v52 =	vadd.f32 v23, v15;
	v53 =	vmul.f32 v34, v48;
	v4 =	vadd.f32 v47, v41;
	[tilespmem:s18+$0x1D720] =	vst v7  }
0x77: {  	v54 =	vadd.f32 v22, v12;
	v55 =	vmul.f32 v30, v48;
	v1 =	vadd.f32 v50, v49;
	[tilespmem:s18+$0x1D7C0] =	vst v51  }
0x78: {  	v56 =	vadd.f32 v21, v13;
	v8 =	vmul.f32 v8, v48;
	v6 =	vadd.f32 v53, v52;
	[tilespmem:s18+$0x1D860] =	vst v4  }
0x79: {  	v57 =	vadd.f32 v20, v14;
	v58 =	vmul.f32 v61, v48;
	v7 =	vadd.f32 v55, v54;
	[tilespmem:s31+$0x1D900] =	vst v1  }
0x7a: {  	s17 =	sadd.s32 $0x1, s17;
	v59 =	vadd.f32 v43, v10;
	v60 =	vmul.f32 v63, v48;
	v8 =	vadd.f32 v8, v56;
	[tilespmem:s18+$0x1D9A0] =	vst v6  }
0x7b: {  	p0 =	sne.s32 s17, $0xA;
	v3 =	vadd.f32 v46, v5;
	v61 =	vmul.f32 v39, v48;
	v4 =	vadd.f32 v58, v57;
	[tilespmem:s18+$0x1DA40] =	vst v7  }
.Ltmp1:
0x7c: {  	v0 =	vadd.f32 v35, v0;
	v62 =	vmul.f32 v45, v48;
	v1 =	vadd.f32 v60, v59;
	[tilespmem:s18+$0x1DAE0] =	vst v8;
	(pc) =	sbr.rel @p0 .LBB2_3-.Ltmp1, $4  }
0x7d: {  	v63 =	vadd.f32 v61, v3;
	[tilespmem:s31+$0x1DB80] =	vst v4  }
0x7e: {  	v0 =	vadd.f32 v62, v0;
	[tilespmem:s18+$0x1DC20] =	vst v1  }
0x7f: {  	[tilespmem:s18+$0x1DCC0] =	vst v63  }
0x80: {  	[tilespmem:s18+$0x1DD60] =	vst v0  }
0x81: {  	s16 =	sadd.s32 s9, s15  }
0x82: {  	s15 =	sadd.s32 $0x1, s15;
	s16 =	smul.u32 $0x140, s16  }
0x83: {  	p0 =	sne.s32 s15, $0x22  }
.Ltmp2:
0x84: {  	s16 =	sadd.s32 s5, s16;
	(pc) =	sbr.rel @p0 .LBB2_2-.Ltmp2, $4  }
0x85: {  	[hbm4b:s16+s2] =	stream.linear.scatter [tilespmem:s13], [sflag:$0x1], $0xA00, $0x38;
	[tilespmem:$0x1DE00] =	vst v63  }
0x86: {  	_ =	swait.ge [sflag:s6], $0xA00  }
0x87: {  	[sflag:s6] =	ssyncset.done $0x0  }
0x88: {  	[sflag:s6] =	ssyncadd.s32 $0xFFFFF600  }
0x89: {  	s14 =	sadd.s32 $0x1, s14  }
0x8a: {  	p0 =	sne.s32 s14, s10  }
.Ltmp3:
0x8b: {  	_ = 	snop;
	(pc) =	sbr.rel @p0 .LBB2_1-.Ltmp3, $1  }
0x8c: {  	_ =	sdelay $0x3  }
0x8d: {  	_ =	sfence.sel $0x180000  }
0x8e: {  	[bflag:$0x0] =	sbarrier.arrive $0xFFFF  }
0x8f: {  	p0 =	sne.s32 s0, $0x0;
	_ =	strace $0x90000047  }
0x90: {  	s0 =	sadd.s32 @!p0 $0x100000, s1;
	[bflag:$0x2] =	sbarrier.arrive $0xFFFF  }
0x91: {  	[sflag:s0] =	ssyncadd.tile.s32 @!p0 $0x1;
	_ =	shalt  }
.Lfunc_end2:
_tile_overlayer_lowered:
.L_overlay_start_2:
0x92: {  	(tag) =	ssettag $0x2  }
0x93: {  	s0 =	rddreg [dreg:$0x0];
	s2 =	stileid.u32  }
0x94: {  	s1 =	rddreg [dreg:$0x1];
	p0 =	sne.s32 s2, $0x0  }
0x95: {  	s3 =	rddreg [dreg:$0x2];
	[bflag:$0x3] =	sbarrier.arrive $0xFFFF;
	s2 =	simm.s32 @!p0 $0x1C01  }
0x96: {  	[timem:s3], [sflag:s2] =	dma.local @!p0 [hbm:s0], s1  }
0x97: {  	s0 =	simm.s32 @!p0 $0x1  }
0x98: {  	_ =	swait.ge @!p0 [sflag:s0], s1  }
0x99: {  	s1 =	ssub.s32 @!p0 $0x0, s1;
	[sflag:s0] =	ssyncset.done @!p0 $0x0  }
0x9a: {  	[sflag:s0] =	ssyncadd.s32 @!p0 s1  }
0x9b: {  	[bflag:$0x3] =	sbarrier.arrive $0xFFFF  }
0x9c: {  	_ =	shalt  }

</sc_bundles>
